<compile_context>
chip_gen: v7x
topology: tpu7x:2x2x1
jax: 0.10.2.dev20260603
libtpu: 0.0.44.dev20260713+nightly
codegen_flags: <defaults>
</compile_context>

<pallas_src>
import functools

import jax
import jax.numpy as jnp
from jax import lax
from jax.experimental import pallas as pl
from jax.experimental.pallas import tpu as pltpu
from jax.experimental.pallas import tpu_sc as plsc

F32 = jnp.float32

_N = 10000
_E = 160000
_NPAD = 10240
_B = 64
_W1 = 128
_W2 = 128
_NTILES = 32
_ROWS_PER_TILE = _NPAD // 16
_EPAD = 163840
_CPT = _EPAD // 128 // _NTILES



def _sc_agg_body(width, y_hbm, src_hbm, dst_hbm, zeros_hbm, out_hbm,
                 src_v, dst_v, rows0, rows1, acc, sem0, sem1):
  cid = lax.axis_index("c")
  sid = lax.axis_index("s")
  wid = sid * 2 + cid

  pltpu.sync_copy(zeros_hbm, acc.at[pl.ds(sid * _ROWS_PER_TILE, _ROWS_PER_TILE)])

  cbase = pl.multiple_of(wid * _CPT, 8)
  pltpu.sync_copy(src_hbm.at[pl.ds(cbase, _CPT)], src_v)
  pltpu.sync_copy(dst_hbm.at[pl.ds(cbase, _CPT)], dst_v)
  plsc.subcore_barrier()

  bufs = (rows0, rows1)
  sems = (sem0, sem1)

  def gather_start(c, b):
    pltpu.make_async_copy(y_hbm.at[src_v.at[c]], bufs[b], sems[b]).start()

  def gather_wait(b):
    pltpu.make_async_copy(y_hbm.at[src_v.at[0]], bufs[b], sems[b]).wait()

  def scatter(c, b):
    pltpu.sync_copy(bufs[b], acc.at[dst_v.at[c]], add=True)

  gather_start(0, 0)
  gather_start(1, 1)

  @pl.loop(0, _CPT // 2)
  def _(p):
    c0 = p * 2
    for b in range(2):
      c = c0 + b
      gather_wait(b)
      scatter(c, b)

      @pl.when(c + 2 < _CPT)
      def _():
        gather_start(c + 2, b)

  plsc.subcore_barrier()
  out_off = pl.multiple_of(cid * _NPAD + sid * _ROWS_PER_TILE, 8)
  pltpu.sync_copy(acc.at[pl.ds(sid * _ROWS_PER_TILE, _ROWS_PER_TILE)],
                  out_hbm.at[pl.ds(out_off, _ROWS_PER_TILE)])


def _sc_aggregate(y, src, dst, width):
  mesh = plsc.VectorSubcoreMesh(core_axis_name="c", subcore_axis_name="s",
                                num_cores=2, num_subcores=16)
  zeros = jnp.zeros((_ROWS_PER_TILE, width), F32)
  kern = pl.kernel(
      functools.partial(_sc_agg_body, width),
      out_type=jax.ShapeDtypeStruct((2 * _NPAD, width), F32),
      mesh=mesh,
      scratch_types=[
          pltpu.VMEM((_CPT, 128), jnp.int32),
          pltpu.VMEM((_CPT, 128), jnp.int32),
          pltpu.VMEM((128, width), F32),
          pltpu.VMEM((128, width), F32),
          pltpu.VMEM_SHARED((_NPAD, width), F32),
          pltpu.SemaphoreType.DMA,
          pltpu.SemaphoreType.DMA,
      ],
  )
  return kern(y, src, dst, zeros)



def _tc1_body(x_ref, w_ref, o_ref):
  y = jnp.dot(x_ref[...], w_ref[...], preferred_element_type=F32)
  ones100 = (lax.broadcasted_iota(jnp.int32, (1, _W1), 1) == 100).astype(F32)
  o_ref[...] = y + ones100


def _tc1(x_pad, w1e):
  grid = _NPAD // 1024
  return pl.pallas_call(
      _tc1_body,
      grid=(grid,),
      in_specs=[
          pl.BlockSpec((1024, 256), lambda i: (i, 0)),
          pl.BlockSpec((256, _W1), lambda i: (0, 0)),
      ],
      out_specs=pl.BlockSpec((1024, _W1), lambda i: (i, 0)),
      out_shape=jax.ShapeDtypeStruct((_NPAD, _W1), F32),
  )(x_pad, w1e)



def _tc2_body(a0_ref, a1_ref, y1_ref, b1_ref, w2_ref, o_ref):
  acc = a0_ref[...] + a1_ref[...]
  lane = lax.broadcasted_iota(jnp.int32, (1, _W1), 1)
  deg = jnp.sum(acc * (lane == 100).astype(F32), axis=1, keepdims=True)
  mean = acc / jnp.maximum(deg, 1.0)
  h1 = jax.nn.relu(jnp.where(deg > 0, mean, y1_ref[...]) + b1_ref[...])
  y2 = jnp.dot(h1, w2_ref[...], preferred_element_type=F32)
  lane2 = lax.broadcasted_iota(jnp.int32, (1, _W2), 1)
  y2 = y2 + (lane2 == 20).astype(F32)
  y2 = y2 + (lane2 == 21).astype(F32) * deg
  o_ref[...] = y2


def _tc2(agg1, y1, b1e, w2e):
  grid = _NPAD // 1024
  return pl.pallas_call(
      _tc2_body,
      grid=(grid,),
      in_specs=[
          pl.BlockSpec((1024, _W1), lambda i: (i, 0)),
          pl.BlockSpec((1024, _W1), lambda i: (i + _NPAD // 1024, 0)),
          pl.BlockSpec((1024, _W1), lambda i: (i, 0)),
          pl.BlockSpec((1, _W1), lambda i: (0, 0)),
          pl.BlockSpec((_W1, _W2), lambda i: (0, 0)),
      ],
      out_specs=pl.BlockSpec((1024, _W2), lambda i: (i, 0)),
      out_shape=jax.ShapeDtypeStruct((_NPAD, _W2), F32),
  )(agg1, agg1, y1, b1e, w2e)



def _tc3_body(a0_ref, a1_ref, y2_ref, b2_ref, gid_ref, o_ref, hg_acc):
  i = pl.program_id(0)
  acc = a0_ref[...] + a1_ref[...]
  y2 = y2_ref[...]
  lane = lax.broadcasted_iota(jnp.int32, (1, _W2), 1)
  deg = jnp.sum(y2 * (lane == 21).astype(F32), axis=1, keepdims=True)
  mean = acc / jnp.maximum(deg, 1.0)
  h2 = jax.nn.relu(jnp.where(deg > 0, mean, y2) + b2_ref[...])
  h2e = h2 * (lane <= 20).astype(F32)
  gid = gid_ref[0]
  onehot_t = (lax.broadcasted_iota(jnp.int32, (_B, 1024), 0) == gid).astype(F32)
  part = jnp.dot(onehot_t, h2e, preferred_element_type=F32,
                 precision=lax.Precision.HIGHEST)

  @pl.when(i == 0)
  def _():
    hg_acc[...] = jnp.zeros_like(hg_acc)

  hg_acc[...] += part

  @pl.when(i == pl.num_programs(0) - 1)
  def _():
    o_ref[...] = hg_acc[...]


def _tc3(agg2, y2, b2e, gid3d):
  grid = _NPAD // 1024
  return pl.pallas_call(
      _tc3_body,
      grid=(grid,),
      in_specs=[
          pl.BlockSpec((1024, _W2), lambda i: (i, 0)),
          pl.BlockSpec((1024, _W2), lambda i: (i + _NPAD // 1024, 0)),
          pl.BlockSpec((1024, _W2), lambda i: (i, 0)),
          pl.BlockSpec((1, _W2), lambda i: (0, 0)),
          pl.BlockSpec((1, 1, 1024), lambda i: (i, 0, 0)),
      ],
      out_specs=pl.BlockSpec((_B, _W2), lambda i: (0, 0)),
      out_shape=jax.ShapeDtypeStruct((_B, _W2), F32),
      scratch_shapes=[pltpu.VMEM((_B, _W2), F32)],
  )(agg2, agg2, y2, b2e, gid3d)



def _bn_relu(z, g, be):
  mu = jnp.mean(z, axis=0, keepdims=True)
  d = z - mu
  var = jnp.mean(d * d, axis=0, keepdims=True)
  return jax.nn.relu(g * d * lax.rsqrt(var + 1e-5) + be)


def _tc4_body(hgs_ref, d2_ref, d3_ref, wpg_ref, bpg_ref, wp2_ref, bp2_ref,
              wp3_ref, bp3_ref, w2_ref, w3_ref, wf1_ref, bf1_ref, g1_ref,
              be1_ref, wf2_ref, bf2_ref, g2_ref, be2_ref, wf3_ref, bf3_ref,
              g3_ref, be3_ref, wf4_ref, bf4_ref, g4_ref, be4_ref, wf5_ref,
              bf5_ref, o_ref, ft_s, z1_s):
  j = pl.program_id(0)

  @pl.when(j == 0)
  def _():
    sums = hgs_ref[...]
    lane = lax.broadcasted_iota(jnp.int32, (1, _W2), 1)
    cnts = jnp.sum(sums * (lane == 20).astype(F32), axis=1, keepdims=True)
    hg = (sums / jnp.maximum(cnts, 1.0)) * (lane < 20).astype(F32)
    hgc = hg + (lane == 20).astype(F32)
    h_g = jnp.dot(hg, wpg_ref[...], preferred_element_type=F32) + bpg_ref[...]
    h_d2 = jnp.dot(d2_ref[...], wp2_ref[...], preferred_element_type=F32) + bp2_ref[...]
    h_d3 = jnp.dot(d3_ref[...], wp3_ref[...], preferred_element_type=F32) + bp3_ref[...]
    gate2 = jax.nn.sigmoid(jnp.dot(h_g, w2_ref[...], preferred_element_type=F32) * h_d2)
    gate3 = jax.nn.sigmoid(jnp.dot(h_g, w3_ref[...], preferred_element_type=F32) * h_d3)
    v2 = gate2 * h_d2
    v3 = gate3 * h_d3
    ones = jnp.ones((_B, 1), F32)
    v2c = jnp.concatenate([v2, ones], axis=1)
    v3c = jnp.concatenate([v3, ones], axis=1)
    col = lax.broadcasted_iota(jnp.int32, (33, 1089), 1)
    row = lax.broadcasted_iota(jnp.int32, (33, 1089), 0)
    rmat = (row == col // 33).astype(F32)
    tmat = (row == col % 33).astype(F32)
    vv = (jnp.dot(v2c, rmat, preferred_element_type=F32,
                  precision=lax.Precision.HIGHEST) *
          jnp.dot(v3c, tmat, preferred_element_type=F32,
                  precision=lax.Precision.HIGHEST))
    chunks = []
    for ii in range(21):
      col = jnp.sum(hgc * (lane == ii).astype(F32), axis=1, keepdims=True)
      chunks.append(col * vv)
    ft_s[...] = jnp.concatenate(chunks, axis=1)

  z1_s[:, pl.ds(j * 128, 128)] = jnp.dot(
      ft_s[...], wf1_ref[...], preferred_element_type=F32)

  @pl.when(j == pl.num_programs(0) - 1)
  def _():
    z1 = z1_s[...] + bf1_ref[...]
    o1 = _bn_relu(z1, g1_ref[...], be1_ref[...])
    z2 = jnp.dot(o1, wf2_ref[...], preferred_element_type=F32) + bf2_ref[...]
    o2 = _bn_relu(z2, g2_ref[...], be2_ref[...])
    z3 = jnp.dot(o2, wf3_ref[...], preferred_element_type=F32) + bf3_ref[...]
    o3 = _bn_relu(z3, g3_ref[...], be3_ref[...])
    z4 = jnp.dot(o3, wf4_ref[...], preferred_element_type=F32) + bf4_ref[...]
    o4 = _bn_relu(z4, g4_ref[...], be4_ref[...])
    o_ref[...] = jnp.dot(o4, wf5_ref[...], preferred_element_type=F32) + bf5_ref[...]


def _tc4(hgsums, desc_2d, desc_3d, wpge, bpg, wp2, bp2, wp3, bp3, w2, w3,
         wf1r, bf1, g1, be1, wf2, bf2, g2, be2, wf3, bf3, g3, be3, wf4, bf4,
         g4, be4, wf5, bf5):
  full = lambda shape: pl.BlockSpec(shape, lambda j: tuple(0 for _ in shape))
  return pl.pallas_call(
      _tc4_body,
      grid=(32,),
      in_specs=[
          full((_B, _W2)),
          full((_B, 200)), full((_B, 300)),
          full((_W2, 32)), full((1, 32)),
          full((200, 32)), full((1, 32)),
          full((300, 32)), full((1, 32)),
          full((32, 32)), full((32, 32)),
          pl.BlockSpec((22869, 128), lambda j: (0, j)),
          full((1, 4096)), full((1, 4096)), full((1, 4096)),
          full((4096, 512)), full((1, 512)), full((1, 512)), full((1, 512)),
          full((512, 128)), full((1, 128)), full((1, 128)), full((1, 128)),
          full((128, 32)), full((1, 32)), full((1, 32)), full((1, 32)),
          full((32, 1)), full((1, 1)),
      ],
      out_specs=pl.BlockSpec((_B, 1), lambda j: (0, 0)),
      out_shape=jax.ShapeDtypeStruct((_B, 1), F32),
      scratch_shapes=[
          pltpu.VMEM((_B, 22869), F32),
          pltpu.VMEM((_B, 4096), F32),
      ],
  )(hgsums, desc_2d, desc_3d, wpge, bpg, wp2, bp2, wp3, bp3, w2, w3,
    wf1r, bf1, g1, be1, wf2, bf2, g2, be2, wf3, bf3, g3, be3, wf4, bf4,
    g4, be4, wf5, bf5)



def kernel(x, edge_index, graph_ids, desc_2d, desc_3d, W_gc1, b_gc1, W_gc2,
           b_gc2, W_pg, b_pg, W_p2, b_p2, W_p3, b_p3, W2, W3, W_f1, b_f1, g1,
           be1, W_f2, b_f2, g2, be2, W_f3, b_f3, g3, be3, W_f4, b_f4, g4,
           be4, W_f5, b_f5):
  n, din = x.shape
  b = desc_2d.shape[0]

  x_pad = jnp.pad(x, ((0, _NPAD - n), (0, 0)))
  gid3d = jnp.pad(graph_ids, (0, _NPAD - n), constant_values=b).reshape(
      _NPAD // 1024, 1, 1024)
  e = edge_index.shape[1]
  sent = n + (jnp.arange(_EPAD - e, dtype=jnp.int32) % (_NPAD - n))
  src = jnp.concatenate([edge_index[0], sent]).reshape(_EPAD // 128, 128)
  dst = jnp.concatenate([edge_index[1], sent]).reshape(_EPAD // 128, 128)

  w1e = jnp.pad(W_gc1, ((0, 0), (0, _W1 - W_gc1.shape[1])))
  b1e = jnp.pad(b_gc1, (0, _W1 - b_gc1.shape[0])).reshape(1, _W1)
  w2e = jnp.pad(W_gc2, ((0, _W1 - W_gc2.shape[0]), (0, _W2 - W_gc2.shape[1])))
  b2e = jnp.pad(b_gc2, (0, _W2 - b_gc2.shape[0])).reshape(1, _W2)
  wpge = jnp.pad(W_pg, ((0, _W2 - W_pg.shape[0]), (0, 0)))

  y1 = _tc1(x_pad, w1e)
  agg1 = _sc_aggregate(y1, src, dst, _W1)
  y2 = _tc2(agg1, y1, b1e, w2e)
  agg2 = _sc_aggregate(y2, src, dst, _W2)
  hgsums = _tc3(agg2, y2, b2e, gid3d)

  wf1r = W_f1
  r1 = lambda v: v.reshape(1, -1)
  out = _tc4(hgsums, desc_2d, desc_3d, wpge, r1(b_pg), W_p2, r1(b_p2), W_p3,
             r1(b_p3), W2, W3, wf1r, r1(b_f1), r1(g1), r1(be1), W_f2,
             r1(b_f2), r1(g2), r1(be2), W_f3, r1(b_f3), r1(g3), r1(be3),
             W_f4, r1(b_f4), r1(g4), r1(be4), W_f5, r1(b_f5))
  return out

# --- scband reference (transcript-rebuilt; emitter-appended) ---
"""Pipeline reference for scband-bi-attn-tfn-hg-gated-net-84954453115082 (READ-ONLY COPY).

The authoritative reference and input builder live on the scoring server;
editing this copy changes nothing except your own understanding.
"""

import jax, jax.numpy as jnp
import numpy as np

N = 10000
E = 160000
DIN = 256
B = 64
D2 = 200
D3 = 300
DG = 20
DH = 32
FUS = (DG + 1) * (DH + 1) * (DH + 1)


def _lin_init(key, fan_in, fan_out):
    return jax.random.normal(key, (fan_in, fan_out), jnp.float32) / np.sqrt(fan_in)


def setup_inputs(seed: int = 0) -> dict:
    key = jax.random.key(seed)
    ks = jax.random.split(key, 32)
    inp = {}
    inp['x'] = jax.random.normal(ks[0], (N, DIN), jnp.float32)
    inp['edge_index'] = jax.random.randint(ks[1], (2, E), 0, N, dtype=jnp.int32)
    inp['graph_ids'] = jnp.sort(jax.random.randint(ks[2], (N,), 0, B, dtype=jnp.int32))
    inp['desc_2d'] = jax.random.normal(ks[3], (B, D2), jnp.float32)
    inp['desc_3d'] = jax.random.normal(ks[4], (B, D3), jnp.float32)
    inp['W_gc1'] = _lin_init(ks[5], DIN, 100); inp['b_gc1'] = jnp.zeros((100,), jnp.float32)
    inp['W_gc2'] = _lin_init(ks[6], 100, DG); inp['b_gc2'] = jnp.zeros((DG,), jnp.float32)
    inp['W_pg'] = _lin_init(ks[7], DG, DH); inp['b_pg'] = jnp.zeros((DH,), jnp.float32)
    inp['W_p2'] = _lin_init(ks[8], D2, DH); inp['b_p2'] = jnp.zeros((DH,), jnp.float32)
    inp['W_p3'] = _lin_init(ks[9], D3, DH); inp['b_p3'] = jnp.zeros((DH,), jnp.float32)
    inp['W2'] = _lin_init(ks[10], DH, DH)
    inp['W3'] = _lin_init(ks[11], DH, DH)
    inp['W_f1'] = _lin_init(ks[12], FUS, 4096); inp['b_f1'] = jnp.zeros((4096,), jnp.float32)
    inp['g1'] = jnp.ones((4096,), jnp.float32); inp['be1'] = jnp.zeros((4096,), jnp.float32)
    inp['W_f2'] = _lin_init(ks[13], 4096, 512); inp['b_f2'] = jnp.zeros((512,), jnp.float32)
    inp['g2'] = jnp.ones((512,), jnp.float32); inp['be2'] = jnp.zeros((512,), jnp.float32)
    inp['W_f3'] = _lin_init(ks[14], 512, 128); inp['b_f3'] = jnp.zeros((128,), jnp.float32)
    inp['g3'] = jnp.ones((128,), jnp.float32); inp['be3'] = jnp.zeros((128,), jnp.float32)
    inp['W_f4'] = _lin_init(ks[15], 128, 32); inp['b_f4'] = jnp.zeros((32,), jnp.float32)
    inp['g4'] = jnp.ones((32,), jnp.float32); inp['be4'] = jnp.zeros((32,), jnp.float32)
    inp['W_f5'] = _lin_init(ks[16], 32, 1); inp['b_f5'] = jnp.zeros((1,), jnp.float32)
    return inp


def _bn(x, g, b):
    mu = jnp.mean(x, axis=0)
    var = jnp.var(x, axis=0)
    return g * (x - mu) / jnp.sqrt(var + 1e-5) + b


def _gcn(h, src, dst, W, b):
    deg = jax.ops.segment_sum(jnp.ones((E,), jnp.float32), dst, num_segments=N)
    agg = jax.ops.segment_sum(h[src], dst, num_segments=N)
    mean = agg / jnp.maximum(deg, 1.0)[:, None]
    h_new = jnp.where((deg > 0)[:, None], mean, h)
    return h_new @ W + b


def reference(x, edge_index, graph_ids, desc_2d, desc_3d, W_gc1, b_gc1, W_gc2, b_gc2, W_pg, b_pg, W_p2, b_p2, W_p3, b_p3, W2, W3, W_f1, b_f1, g1, be1, W_f2, b_f2, g2, be2, W_f3, b_f3, g3, be3, W_f4, b_f4, g4, be4, W_f5, b_f5):
    src = edge_index[0]
    dst = edge_index[1]
    h = jax.nn.relu(_gcn(x, src, dst, W_gc1, b_gc1))
    h = jax.nn.relu(_gcn(h, src, dst, W_gc2, b_gc2))
    sums = jax.ops.segment_sum(h, graph_ids, num_segments=B)
    cnts = jax.ops.segment_sum(jnp.ones((N,), jnp.float32), graph_ids, num_segments=B)
    hg = sums / jnp.maximum(cnts, 1.0)[:, None]
    h_g = hg @ W_pg + b_pg
    h_d2 = desc_2d @ W_p2 + b_p2
    h_d3 = desc_3d @ W_p3 + b_p3
    gate2 = jax.nn.sigmoid((h_g @ W2) * h_d2)
    gate3 = jax.nn.sigmoid((h_g @ W3) * h_d3)
    v2 = gate2 * h_d2
    v3 = gate3 * h_d3
    ones = jnp.ones((B, 1), hg.dtype)
    hg_c = jnp.concatenate([hg, ones], axis=1)
    v2_c = jnp.concatenate([v2, ones], axis=1)
    v3_c = jnp.concatenate([v3, ones], axis=1)
    ft = (hg_c[:, :, None] * v2_c[:, None, :]).reshape(B, -1)
    ft = (ft[:, :, None] * v3_c[:, None, :]).reshape(B, -1)
    out = jax.nn.relu(_bn(ft @ W_f1 + b_f1, g1, be1))
    out = jax.nn.relu(_bn(out @ W_f2 + b_f2, g2, be2))
    out = jax.nn.relu(_bn(out @ W_f3 + b_f3, g3, be3))
    out = jax.nn.relu(_bn(out @ W_f4 + b_f4, g4, be4))
    out = out @ W_f5 + b_f5
    return out

if __name__ == "__main__":
    import jax
    _d = setup_inputs()
    print(jax.jit(kernel)(*tuple(_d.values())))

</pallas_src>

<mosaic_0001>
#map = affine_map<(d0, d1) -> (0, 0)>
module attributes {stable_mosaic.version = 14 : i64} {
  func.func @_sc_agg_body(%arg0: i32, %arg1: i32, %arg2: memref<10240x128xf32, #tpu.memory_space<hbm>>, %arg3: memref<1280x128xi32, #tpu.memory_space<hbm>>, %arg4: memref<1280x128xi32, #tpu.memory_space<hbm>>, %arg5: memref<640x128xf32, #tpu.memory_space<hbm>>, %arg6: memref<20480x128xf32, #tpu.memory_space<hbm>>, %arg7: memref<40x128xi32, #tpu.memory_space<vmem>>, %arg8: memref<40x128xi32, #tpu.memory_space<vmem>>, %arg9: memref<128x128xf32, #tpu.memory_space<vmem>>, %arg10: memref<128x128xf32, #tpu.memory_space<vmem>>, %arg11: memref<10240x128xf32, #tpu.memory_space<vmem_shared>>, %arg12: memref<!tpu.dma_semaphore, #tpu.memory_space<semaphore_mem>>, %arg13: memref<!tpu.dma_semaphore, #tpu.memory_space<semaphore_mem>>) attributes {dimension_semantics = [#tpu.dimension_semantics<core_parallel>, #tpu.dimension_semantics<subcore_parallel>], iteration_bounds = array<i64: 2, 16>, scalar_prefetch = 0 : i64, scratch_operands = 7 : i64, tpu.core_type = #tpu.core_type<sc_vector_subcore>, window_params = [{transform_indices = #map}, {transform_indices = #map}, {transform_indices = #map}, {transform_indices = #map}, {transform_indices = #map}]} {
    %mul3A = arith.constant 2 : i32
    %mul3A_0 = arith.muli %arg1, %mul3A : i32
    %add3A = arith.addi %mul3A_0, %arg0 : i32
    %mul3A_1 = arith.constant 640 : i32
    %mul3A_2 = arith.muli %arg1, %mul3A_1 : i32
    "tpu.region"() ({
      %run_scoped3A = tpu.sem_alloc : memref<!tpu.dma_semaphore, #tpu.memory_space<semaphore_mem>>
      %dma_start3A_31 = arith.constant 0 : i32
      %dma_start3A_32 = tpu.memref_slice %arg11[%mul3A_2, %dma_start3A_31] : memref<10240x128xf32, #tpu.memory_space<vmem_shared>> -> memref<640x128xf32, #tpu.memory_space<vmem_shared>>
      tpu.enqueue_dma source(%arg5 : memref<640x128xf32, #tpu.memory_space<hbm>>) target(%dma_start3A_32 : memref<640x128xf32, #tpu.memory_space<vmem_shared>>) target_semaphore(%run_scoped3A : memref<!tpu.dma_semaphore, #tpu.memory_space<semaphore_mem>>)
      %dma_wait3A = arith.constant 0 : i32
      %dma_wait3A_33 = tpu.memref_slice %arg11[%mul3A_2, %dma_wait3A] : memref<10240x128xf32, #tpu.memory_space<vmem_shared>> -> memref<640x128xf32, #tpu.memory_space<vmem_shared>>
      tpu.wait_dma2 semaphore(%run_scoped3A : memref<!tpu.dma_semaphore, #tpu.memory_space<semaphore_mem>>) src(%arg5 : memref<640x128xf32, #tpu.memory_space<hbm>>) dst(%dma_wait3A_33 : memref<640x128xf32, #tpu.memory_space<vmem_shared>>)
      tpu.yield
    }) : () -> ()
    %mul3A_3 = arith.constant 40 : i32
    %mul3A_4 = arith.muli %add3A, %mul3A_3 : i32
    %multiple_of3A = tpu.assume_multiple %mul3A_4, 8 : i32
    "tpu.region"() ({
      %run_scoped3A = tpu.sem_alloc : memref<!tpu.dma_semaphore, #tpu.memory_space<semaphore_mem>>
      %dma_start3A_31 = arith.constant 0 : i32
      %dma_start3A_32 = tpu.memref_slice %arg3[%multiple_of3A, %dma_start3A_31] : memref<1280x128xi32, #tpu.memory_space<hbm>> -> memref<40x128xi32, #tpu.memory_space<hbm>>
      %dma_start3A_33 = arith.constant 0 : i32
      %dma_start3A_34 = tpu.memref_slice %arg3[%multiple_of3A, %dma_start3A_33] : memref<1280x128xi32, #tpu.memory_space<hbm>> -> memref<40x128xi32, #tpu.memory_space<hbm>>
      tpu.enqueue_dma source(%dma_start3A_34 : memref<40x128xi32, #tpu.memory_space<hbm>>) target(%arg7 : memref<40x128xi32, #tpu.memory_space<vmem>>) target_semaphore(%run_scoped3A : memref<!tpu.dma_semaphore, #tpu.memory_space<semaphore_mem>>)
      %dma_wait3A = arith.constant 0 : i32
      %dma_wait3A_35 = tpu.memref_slice %arg3[%multiple_of3A, %dma_wait3A] : memref<1280x128xi32, #tpu.memory_space<hbm>> -> memref<40x128xi32, #tpu.memory_space<hbm>>
      %dma_wait3A_36 = arith.constant 0 : i32
      %dma_wait3A_37 = tpu.memref_slice %arg3[%multiple_of3A, %dma_wait3A_36] : memref<1280x128xi32, #tpu.memory_space<hbm>> -> memref<40x128xi32, #tpu.memory_space<hbm>>
      tpu.wait_dma2 semaphore(%run_scoped3A : memref<!tpu.dma_semaphore, #tpu.memory_space<semaphore_mem>>) src(%dma_wait3A_37 : memref<40x128xi32, #tpu.memory_space<hbm>>) dst(%arg7 : memref<40x128xi32, #tpu.memory_space<vmem>>)
      tpu.yield
    }) : () -> ()
    "tpu.region"() ({
      %run_scoped3A = tpu.sem_alloc : memref<!tpu.dma_semaphore, #tpu.memory_space<semaphore_mem>>
      %dma_start3A_31 = arith.constant 0 : i32
      %dma_start3A_32 = tpu.memref_slice %arg4[%multiple_of3A, %dma_start3A_31] : memref<1280x128xi32, #tpu.memory_space<hbm>> -> memref<40x128xi32, #tpu.memory_space<hbm>>
      %dma_start3A_33 = arith.constant 0 : i32
      %dma_start3A_34 = tpu.memref_slice %arg4[%multiple_of3A, %dma_start3A_33] : memref<1280x128xi32, #tpu.memory_space<hbm>> -> memref<40x128xi32, #tpu.memory_space<hbm>>
      tpu.enqueue_dma source(%dma_start3A_34 : memref<40x128xi32, #tpu.memory_space<hbm>>) target(%arg8 : memref<40x128xi32, #tpu.memory_space<vmem>>) target_semaphore(%run_scoped3A : memref<!tpu.dma_semaphore, #tpu.memory_space<semaphore_mem>>)
      %dma_wait3A = arith.constant 0 : i32
      %dma_wait3A_35 = tpu.memref_slice %arg4[%multiple_of3A, %dma_wait3A] : memref<1280x128xi32, #tpu.memory_space<hbm>> -> memref<40x128xi32, #tpu.memory_space<hbm>>
      %dma_wait3A_36 = arith.constant 0 : i32
      %dma_wait3A_37 = tpu.memref_slice %arg4[%multiple_of3A, %dma_wait3A_36] : memref<1280x128xi32, #tpu.memory_space<hbm>> -> memref<40x128xi32, #tpu.memory_space<hbm>>
      tpu.wait_dma2 semaphore(%run_scoped3A : memref<!tpu.dma_semaphore, #tpu.memory_space<semaphore_mem>>) src(%dma_wait3A_37 : memref<40x128xi32, #tpu.memory_space<hbm>>) dst(%arg8 : memref<40x128xi32, #tpu.memory_space<vmem>>)
      tpu.yield
    }) : () -> ()
    %barrier3A = arith.constant 0 : index
    tpu.barrier barrier_id(%barrier3A)
    %dma_start3A = arith.constant 0 : i32
    %dma_start3A_5 = arith.constant 0 : i32
    %dma_start3A_6 = tpu.memref_slice %arg7[%dma_start3A, %dma_start3A_5] : memref<40x128xi32, #tpu.memory_space<vmem>> -> memref<1x128xi32, #tpu.memory_space<vmem>>
    %dma_start3A_7 = tpu.memref_squeeze %dma_start3A_6 : memref<1x128xi32, #tpu.memory_space<vmem>> -> memref<128xi32, #tpu.memory_space<vmem>>
    %dma_start3A_8 = arith.constant 0 : i32
    %dma_start3A_9 = arith.constant 0 : i32
    %dma_start3A_10 = tpu.memref_slice %arg2[%dma_start3A_8, %dma_start3A_9] : memref<10240x128xf32, #tpu.memory_space<hbm>> -> memref<10240x128xf32, #tpu.memory_space<hbm>>
    tpu.enqueue_indirect_dma source(%dma_start3A_10 : memref<10240x128xf32, #tpu.memory_space<hbm>>) target(%arg9 : memref<128x128xf32, #tpu.memory_space<vmem>>) offsets(%dma_start3A_7 : memref<128xi32, #tpu.memory_space<vmem>>) semaphore(%arg12 : memref<!tpu.dma_semaphore, #tpu.memory_space<semaphore_mem>>)
    %dma_start3A_11 = arith.constant 1 : i32
    %dma_start3A_12 = arith.constant 0 : i32
    %dma_start3A_13 = tpu.memref_slice %arg7[%dma_start3A_11, %dma_start3A_12] : memref<40x128xi32, #tpu.memory_space<vmem>> -> memref<1x128xi32, #tpu.memory_space<vmem>>
    %dma_start3A_14 = tpu.memref_squeeze %dma_start3A_13 : memref<1x128xi32, #tpu.memory_space<vmem>> -> memref<128xi32, #tpu.memory_space<vmem>>
    %dma_start3A_15 = arith.constant 0 : i32
    %dma_start3A_16 = arith.constant 0 : i32
    %dma_start3A_17 = tpu.memref_slice %arg2[%dma_start3A_15, %dma_start3A_16] : memref<10240x128xf32, #tpu.memory_space<hbm>> -> memref<10240x128xf32, #tpu.memory_space<hbm>>
    tpu.enqueue_indirect_dma source(%dma_start3A_17 : memref<10240x128xf32, #tpu.memory_space<hbm>>) target(%arg10 : memref<128x128xf32, #tpu.memory_space<vmem>>) offsets(%dma_start3A_14 : memref<128xi32, #tpu.memory_space<vmem>>) semaphore(%arg13 : memref<!tpu.dma_semaphore, #tpu.memory_space<semaphore_mem>>)
    %scan3A = arith.constant 0 : i32
    %scan3A_18 = arith.constant 20 : i32
    %scan3A_19 = arith.addi %scan3A, %scan3A_18 : i32
    %scan3A_20 = arith.constant 1 : i32
    scf.for %scan3A_31 = %scan3A to %scan3A_19 step %scan3A_20  : i32 {
      %mul3A_32 = arith.constant 1 : i32
      %mul3A_33 = arith.muli %scan3A_31, %mul3A_32 : i32
      %add3A_34 = arith.constant 0 : i32
      %add3A_35 = arith.addi %add3A_34, %mul3A_33 : i32
      %mul3A_36 = arith.constant 2 : i32
      %mul3A_37 = arith.muli %add3A_35, %mul3A_36 : i32
      %add3A_38 = arith.constant 0 : i32
      %add3A_39 = arith.addi %mul3A_37, %add3A_38 : i32
      %dma_wait3A = arith.constant 0 : i32
      %dma_wait3A_40 = arith.constant 0 : i32
      %dma_wait3A_41 = tpu.memref_slice %arg7[%dma_wait3A, %dma_wait3A_40] : memref<40x128xi32, #tpu.memory_space<vmem>> -> memref<1x128xi32, #tpu.memory_space<vmem>>
      %dma_wait3A_42 = tpu.memref_squeeze %dma_wait3A_41 : memref<1x128xi32, #tpu.memory_space<vmem>> -> memref<128xi32, #tpu.memory_space<vmem>>
      %dma_wait3A_43 = arith.constant 0 : i32
      %dma_wait3A_44 = arith.constant 0 : i32
      %dma_wait3A_45 = tpu.memref_slice %arg2[%dma_wait3A_43, %dma_wait3A_44] : memref<10240x128xf32, #tpu.memory_space<hbm>> -> memref<10240x128xf32, #tpu.memory_space<hbm>>
      tpu.wait_indirect_dma semaphore(%arg12 : memref<!tpu.dma_semaphore, #tpu.memory_space<semaphore_mem>>) src(%dma_wait3A_45 : memref<10240x128xf32, #tpu.memory_space<hbm>>) dst(%arg9 : memref<128x128xf32, #tpu.memory_space<vmem>>)
      "tpu.region"() ({
        %run_scoped3A = tpu.sem_alloc : memref<!tpu.dma_semaphore, #tpu.memory_space<semaphore_mem>>
        %dma_start3A_66 = arith.constant 0 : i32
        %dma_start3A_67 = tpu.memref_slice %arg8[%add3A_39, %dma_start3A_66] : memref<40x128xi32, #tpu.memory_space<vmem>> -> memref<1x128xi32, #tpu.memory_space<vmem>>
        %dma_start3A_68 = tpu.memref_squeeze %dma_start3A_67 : memref<1x128xi32, #tpu.memory_space<vmem>> -> memref<128xi32, #tpu.memory_space<vmem>>
        %dma_start3A_69 = arith.constant 0 : i32
        %dma_start3A_70 = arith.constant 0 : i32
        %dma_start3A_71 = tpu.memref_slice %arg11[%dma_start3A_69, %dma_start3A_70] : memref<10240x128xf32, #tpu.memory_space<vmem_shared>> -> memref<10240x128xf32, #tpu.memory_space<vmem_shared>>
        tpu.enqueue_indirect_dma source(%arg9 : memref<128x128xf32, #tpu.memory_space<vmem>>) target(%dma_start3A_71 : memref<10240x128xf32, #tpu.memory_space<vmem_shared>>) offsets(%dma_start3A_68 : memref<128xi32, #tpu.memory_space<vmem>>) semaphore(%run_scoped3A : memref<!tpu.dma_semaphore, #tpu.memory_space<semaphore_mem>>) {add = true}
        %dma_wait3A_72 = arith.constant 0 : i32
        %dma_wait3A_73 = tpu.memref_slice %arg8[%add3A_39, %dma_wait3A_72] : memref<40x128xi32, #tpu.memory_space<vmem>> -> memref<1x128xi32, #tpu.memory_space<vmem>>
        %dma_wait3A_74 = tpu.memref_squeeze %dma_wait3A_73 : memref<1x128xi32, #tpu.memory_space<vmem>> -> memref<128xi32, #tpu.memory_space<vmem>>
        %dma_wait3A_75 = arith.constant 0 : i32
        %dma_wait3A_76 = arith.constant 0 : i32
        %dma_wait3A_77 = tpu.memref_slice %arg11[%dma_wait3A_75, %dma_wait3A_76] : memref<10240x128xf32, #tpu.memory_space<vmem_shared>> -> memref<10240x128xf32, #tpu.memory_space<vmem_shared>>
        tpu.wait_indirect_dma semaphore(%run_scoped3A : memref<!tpu.dma_semaphore, #tpu.memory_space<semaphore_mem>>) src(%arg9 : memref<128x128xf32, #tpu.memory_space<vmem>>) dst(%dma_wait3A_77 : memref<10240x128xf32, #tpu.memory_space<vmem_shared>>)
        tpu.yield
      }) : () -> ()
      %add3A_46 = arith.constant 2 : i32
      %add3A_47 = arith.addi %add3A_39, %add3A_46 : i32
      %lt3A = arith.constant 40 : i32
      %lt3A_48 = arith.cmpi slt, %add3A_47, %lt3A : i32
      %convert_element_type3A = arith.extui %lt3A_48 : i1 to i32
      %cond3A = arith.constant 0 : i32
      %cond3A_49 = arith.cmpi ne, %convert_element_type3A, %cond3A : i32
      scf.if %cond3A_49 {
        %add3A_66 = arith.constant 2 : i32
        %add3A_67 = arith.addi %add3A_39, %add3A_66 : i32
        %dma_start3A_68 = arith.constant 0 : i32
        %dma_start3A_69 = tpu.memref_slice %arg7[%add3A_67, %dma_start3A_68] : memref<40x128xi32, #tpu.memory_space<vmem>> -> memref<1x128xi32, #tpu.memory_space<vmem>>
        %dma_start3A_70 = tpu.memref_squeeze %dma_start3A_69 : memref<1x128xi32, #tpu.memory_space<vmem>> -> memref<128xi32, #tpu.memory_space<vmem>>
        %dma_start3A_71 = arith.constant 0 : i32
        %dma_start3A_72 = arith.constant 0 : i32
        %dma_start3A_73 = tpu.memref_slice %arg2[%dma_start3A_71, %dma_start3A_72] : memref<10240x128xf32, #tpu.memory_space<hbm>> -> memref<10240x128xf32, #tpu.memory_space<hbm>>
        tpu.enqueue_indirect_dma source(%dma_start3A_73 : memref<10240x128xf32, #tpu.memory_space<hbm>>) target(%arg9 : memref<128x128xf32, #tpu.memory_space<vmem>>) offsets(%dma_start3A_70 : memref<128xi32, #tpu.memory_space<vmem>>) semaphore(%arg12 : memref<!tpu.dma_semaphore, #tpu.memory_space<semaphore_mem>>)
      } else {
      }
      %add3A_50 = arith.constant 1 : i32
      %add3A_51 = arith.addi %mul3A_37, %add3A_50 : i32
      %dma_wait3A_52 = arith.constant 0 : i32
      %dma_wait3A_53 = arith.constant 0 : i32
      %dma_wait3A_54 = tpu.memref_slice %arg7[%dma_wait3A_52, %dma_wait3A_53] : memref<40x128xi32, #tpu.memory_space<vmem>> -> memref<1x128xi32, #tpu.memory_space<vmem>>
      %dma_wait3A_55 = tpu.memref_squeeze %dma_wait3A_54 : memref<1x128xi32, #tpu.memory_space<vmem>> -> memref<128xi32, #tpu.memory_space<vmem>>
      %dma_wait3A_56 = arith.constant 0 : i32
      %dma_wait3A_57 = arith.constant 0 : i32
      %dma_wait3A_58 = tpu.memref_slice %arg2[%dma_wait3A_56, %dma_wait3A_57] : memref<10240x128xf32, #tpu.memory_space<hbm>> -> memref<10240x128xf32, #tpu.memory_space<hbm>>
      tpu.wait_indirect_dma semaphore(%arg13 : memref<!tpu.dma_semaphore, #tpu.memory_space<semaphore_mem>>) src(%dma_wait3A_58 : memref<10240x128xf32, #tpu.memory_space<hbm>>) dst(%arg10 : memref<128x128xf32, #tpu.memory_space<vmem>>)
      "tpu.region"() ({
        %run_scoped3A = tpu.sem_alloc : memref<!tpu.dma_semaphore, #tpu.memory_space<semaphore_mem>>
        %dma_start3A_66 = arith.constant 0 : i32
        %dma_start3A_67 = tpu.memref_slice %arg8[%add3A_51, %dma_start3A_66] : memref<40x128xi32, #tpu.memory_space<vmem>> -> memref<1x128xi32, #tpu.memory_space<vmem>>
        %dma_start3A_68 = tpu.memref_squeeze %dma_start3A_67 : memref<1x128xi32, #tpu.memory_space<vmem>> -> memref<128xi32, #tpu.memory_space<vmem>>
        %dma_start3A_69 = arith.constant 0 : i32
        %dma_start3A_70 = arith.constant 0 : i32
        %dma_start3A_71 = tpu.memref_slice %arg11[%dma_start3A_69, %dma_start3A_70] : memref<10240x128xf32, #tpu.memory_space<vmem_shared>> -> memref<10240x128xf32, #tpu.memory_space<vmem_shared>>
        tpu.enqueue_indirect_dma source(%arg10 : memref<128x128xf32, #tpu.memory_space<vmem>>) target(%dma_start3A_71 : memref<10240x128xf32, #tpu.memory_space<vmem_shared>>) offsets(%dma_start3A_68 : memref<128xi32, #tpu.memory_space<vmem>>) semaphore(%run_scoped3A : memref<!tpu.dma_semaphore, #tpu.memory_space<semaphore_mem>>) {add = true}
        %dma_wait3A_72 = arith.constant 0 : i32
        %dma_wait3A_73 = tpu.memref_slice %arg8[%add3A_51, %dma_wait3A_72] : memref<40x128xi32, #tpu.memory_space<vmem>> -> memref<1x128xi32, #tpu.memory_space<vmem>>
        %dma_wait3A_74 = tpu.memref_squeeze %dma_wait3A_73 : memref<1x128xi32, #tpu.memory_space<vmem>> -> memref<128xi32, #tpu.memory_space<vmem>>
        %dma_wait3A_75 = arith.constant 0 : i32
        %dma_wait3A_76 = arith.constant 0 : i32
        %dma_wait3A_77 = tpu.memref_slice %arg11[%dma_wait3A_75, %dma_wait3A_76] : memref<10240x128xf32, #tpu.memory_space<vmem_shared>> -> memref<10240x128xf32, #tpu.memory_space<vmem_shared>>
        tpu.wait_indirect_dma semaphore(%run_scoped3A : memref<!tpu.dma_semaphore, #tpu.memory_space<semaphore_mem>>) src(%arg10 : memref<128x128xf32, #tpu.memory_space<vmem>>) dst(%dma_wait3A_77 : memref<10240x128xf32, #tpu.memory_space<vmem_shared>>)
        tpu.yield
      }) : () -> ()
      %add3A_59 = arith.constant 2 : i32
      %add3A_60 = arith.addi %add3A_51, %add3A_59 : i32
      %lt3A_61 = arith.constant 40 : i32
      %lt3A_62 = arith.cmpi slt, %add3A_60, %lt3A_61 : i32
      %convert_element_type3A_63 = arith.extui %lt3A_62 : i1 to i32
      %cond3A_64 = arith.constant 0 : i32
      %cond3A_65 = arith.cmpi ne, %convert_element_type3A_63, %cond3A_64 : i32
      scf.if %cond3A_65 {
        %add3A_66 = arith.constant 2 : i32
        %add3A_67 = arith.addi %add3A_51, %add3A_66 : i32
        %dma_start3A_68 = arith.constant 0 : i32
        %dma_start3A_69 = tpu.memref_slice %arg7[%add3A_67, %dma_start3A_68] : memref<40x128xi32, #tpu.memory_space<vmem>> -> memref<1x128xi32, #tpu.memory_space<vmem>>
        %dma_start3A_70 = tpu.memref_squeeze %dma_start3A_69 : memref<1x128xi32, #tpu.memory_space<vmem>> -> memref<128xi32, #tpu.memory_space<vmem>>
        %dma_start3A_71 = arith.constant 0 : i32
        %dma_start3A_72 = arith.constant 0 : i32
        %dma_start3A_73 = tpu.memref_slice %arg2[%dma_start3A_71, %dma_start3A_72] : memref<10240x128xf32, #tpu.memory_space<hbm>> -> memref<10240x128xf32, #tpu.memory_space<hbm>>
        tpu.enqueue_indirect_dma source(%dma_start3A_73 : memref<10240x128xf32, #tpu.memory_space<hbm>>) target(%arg10 : memref<128x128xf32, #tpu.memory_space<vmem>>) offsets(%dma_start3A_70 : memref<128xi32, #tpu.memory_space<vmem>>) semaphore(%arg13 : memref<!tpu.dma_semaphore, #tpu.memory_space<semaphore_mem>>)
      } else {
      }
    }
    %scan3A_21 = arith.constant 20 : i32
    %barrier3A_22 = arith.constant 0 : index
    tpu.barrier barrier_id(%barrier3A_22)
    %mul3A_23 = arith.constant 10240 : i32
    %mul3A_24 = arith.muli %arg0, %mul3A_23 : i32
    %mul3A_25 = arith.constant 640 : i32
    %mul3A_26 = arith.muli %arg1, %mul3A_25 : i32
    %add3A_27 = arith.addi %mul3A_24, %mul3A_26 : i32
    %multiple_of3A_28 = tpu.assume_multiple %add3A_27, 8 : i32
    %mul3A_29 = arith.constant 640 : i32
    %mul3A_30 = arith.muli %arg1, %mul3A_29 : i32
    "tpu.region"() ({
      %run_scoped3A = tpu.sem_alloc : memref<!tpu.dma_semaphore, #tpu.memory_space<semaphore_mem>>
      %dma_start3A_31 = arith.constant 0 : i32
      %dma_start3A_32 = tpu.memref_slice %arg6[%multiple_of3A_28, %dma_start3A_31] : memref<20480x128xf32, #tpu.memory_space<hbm>> -> memref<640x128xf32, #tpu.memory_space<hbm>>
      %dma_start3A_33 = arith.constant 0 : i32
      %dma_start3A_34 = tpu.memref_slice %arg11[%mul3A_30, %dma_start3A_33] : memref<10240x128xf32, #tpu.memory_space<vmem_shared>> -> memref<640x128xf32, #tpu.memory_space<vmem_shared>>
      tpu.enqueue_dma source(%dma_start3A_34 : memref<640x128xf32, #tpu.memory_space<vmem_shared>>) target(%dma_start3A_32 : memref<640x128xf32, #tpu.memory_space<hbm>>) target_semaphore(%run_scoped3A : memref<!tpu.dma_semaphore, #tpu.memory_space<semaphore_mem>>)
      %dma_wait3A = arith.constant 0 : i32
      %dma_wait3A_35 = tpu.memref_slice %arg6[%multiple_of3A_28, %dma_wait3A] : memref<20480x128xf32, #tpu.memory_space<hbm>> -> memref<640x128xf32, #tpu.memory_space<hbm>>
      %dma_wait3A_36 = arith.constant 0 : i32
      %dma_wait3A_37 = tpu.memref_slice %arg11[%mul3A_30, %dma_wait3A_36] : memref<10240x128xf32, #tpu.memory_space<vmem_shared>> -> memref<640x128xf32, #tpu.memory_space<vmem_shared>>
      tpu.wait_dma2 semaphore(%run_scoped3A : memref<!tpu.dma_semaphore, #tpu.memory_space<semaphore_mem>>) src(%dma_wait3A_37 : memref<640x128xf32, #tpu.memory_space<vmem_shared>>) dst(%dma_wait3A_35 : memref<640x128xf32, #tpu.memory_space<hbm>>)
      tpu.yield
    }) : () -> ()
    return
  }
}

#map = affine_map<(d0, d1) -> (0, 0)>
module attributes {stable_mosaic.version = 14 : i64} {
  func.func @_sc_agg_body(%arg0: i32, %arg1: i32, %arg2: memref<10240x128xf32, #tpu.memory_space<hbm>>, %arg3: memref<1280x128xi32, #tpu.memory_space<hbm>>, %arg4: memref<1280x128xi32, #tpu.memory_space<hbm>>, %arg5: memref<640x128xf32, #tpu.memory_space<hbm>>, %arg6: memref<20480x128xf32, #tpu.memory_space<hbm>>, %arg7: memref<40x128xi32, #tpu.memory_space<vmem>>, %arg8: memref<40x128xi32, #tpu.memory_space<vmem>>, %arg9: memref<128x128xf32, #tpu.memory_space<vmem>>, %arg10: memref<128x128xf32, #tpu.memory_space<vmem>>, %arg11: memref<10240x128xf32, #tpu.memory_space<vmem_shared>>, %arg12: memref<!tpu.dma_semaphore, #tpu.memory_space<semaphore_mem>>, %arg13: memref<!tpu.dma_semaphore, #tpu.memory_space<semaphore_mem>>) attributes {dimension_semantics = [#tpu.dimension_semantics<core_parallel>, #tpu.dimension_semantics<subcore_parallel>], iteration_bounds = array<i64: 2, 16>, scalar_prefetch = 0 : i64, scratch_operands = 7 : i64, tpu.core_type = #tpu.core_type<sc_vector_subcore>, window_params = [{transform_indices = #map}, {transform_indices = #map}, {transform_indices = #map}, {transform_indices = #map}, {transform_indices = #map}]} {
    %mul3A = arith.constant 2 : i32
    %mul3A_0 = arith.muli %arg1, %mul3A : i32
    %add3A = arith.addi %mul3A_0, %arg0 : i32
    %mul3A_1 = arith.constant 640 : i32
    %mul3A_2 = arith.muli %arg1, %mul3A_1 : i32
    "tpu.region"() ({
      %run_scoped3A = tpu.sem_alloc : memref<!tpu.dma_semaphore, #tpu.memory_space<semaphore_mem>>
      %dma_start3A_31 = arith.constant 0 : i32
      %dma_start3A_32 = tpu.memref_slice %arg11[%mul3A_2, %dma_start3A_31] : memref<10240x128xf32, #tpu.memory_space<vmem_shared>> -> memref<640x128xf32, #tpu.memory_space<vmem_shared>>
      tpu.enqueue_dma source(%arg5 : memref<640x128xf32, #tpu.memory_space<hbm>>) target(%dma_start3A_32 : memref<640x128xf32, #tpu.memory_space<vmem_shared>>) target_semaphore(%run_scoped3A : memref<!tpu.dma_semaphore, #tpu.memory_space<semaphore_mem>>)
      %dma_wait3A = arith.constant 0 : i32
      %dma_wait3A_33 = tpu.memref_slice %arg11[%mul3A_2, %dma_wait3A] : memref<10240x128xf32, #tpu.memory_space<vmem_shared>> -> memref<640x128xf32, #tpu.memory_space<vmem_shared>>
      tpu.wait_dma2 semaphore(%run_scoped3A : memref<!tpu.dma_semaphore, #tpu.memory_space<semaphore_mem>>) src(%arg5 : memref<640x128xf32, #tpu.memory_space<hbm>>) dst(%dma_wait3A_33 : memref<640x128xf32, #tpu.memory_space<vmem_shared>>)
      tpu.yield
    }) : () -> ()
    %mul3A_3 = arith.constant 40 : i32
    %mul3A_4 = arith.muli %add3A, %mul3A_3 : i32
    %multiple_of3A = tpu.assume_multiple %mul3A_4, 8 : i32
    "tpu.region"() ({
      %run_scoped3A = tpu.sem_alloc : memref<!tpu.dma_semaphore, #tpu.memory_space<semaphore_mem>>
      %dma_start3A_31 = arith.constant 0 : i32
      %dma_start3A_32 = tpu.memref_slice %arg3[%multiple_of3A, %dma_start3A_31] : memref<1280x128xi32, #tpu.memory_space<hbm>> -> memref<40x128xi32, #tpu.memory_space<hbm>>
      %dma_start3A_33 = arith.constant 0 : i32
      %dma_start3A_34 = tpu.memref_slice %arg3[%multiple_of3A, %dma_start3A_33] : memref<1280x128xi32, #tpu.memory_space<hbm>> -> memref<40x128xi32, #tpu.memory_space<hbm>>
      tpu.enqueue_dma source(%dma_start3A_34 : memref<40x128xi32, #tpu.memory_space<hbm>>) target(%arg7 : memref<40x128xi32, #tpu.memory_space<vmem>>) target_semaphore(%run_scoped3A : memref<!tpu.dma_semaphore, #tpu.memory_space<semaphore_mem>>)
      %dma_wait3A = arith.constant 0 : i32
      %dma_wait3A_35 = tpu.memref_slice %arg3[%multiple_of3A, %dma_wait3A] : memref<1280x128xi32, #tpu.memory_space<hbm>> -> memref<40x128xi32, #tpu.memory_space<hbm>>
      %dma_wait3A_36 = arith.constant 0 : i32
      %dma_wait3A_37 = tpu.memref_slice %arg3[%multiple_of3A, %dma_wait3A_36] : memref<1280x128xi32, #tpu.memory_space<hbm>> -> memref<40x128xi32, #tpu.memory_space<hbm>>
      tpu.wait_dma2 semaphore(%run_scoped3A : memref<!tpu.dma_semaphore, #tpu.memory_space<semaphore_mem>>) src(%dma_wait3A_37 : memref<40x128xi32, #tpu.memory_space<hbm>>) dst(%arg7 : memref<40x128xi32, #tpu.memory_space<vmem>>)
      tpu.yield
    }) : () -> ()
    "tpu.region"() ({
      %run_scoped3A = tpu.sem_alloc : memref<!tpu.dma_semaphore, #tpu.memory_space<semaphore_mem>>
      %dma_start3A_31 = arith.constant 0 : i32
      %dma_start3A_32 = tpu.memref_slice %arg4[%multiple_of3A, %dma_start3A_31] : memref<1280x128xi32, #tpu.memory_space<hbm>> -> memref<40x128xi32, #tpu.memory_space<hbm>>
      %dma_start3A_33 = arith.constant 0 : i32
      %dma_start3A_34 = tpu.memref_slice %arg4[%multiple_of3A, %dma_start3A_33] : memref<1280x128xi32, #tpu.memory_space<hbm>> -> memref<40x128xi32, #tpu.memory_space<hbm>>
      tpu.enqueue_dma source(%dma_start3A_34 : memref<40x128xi32, #tpu.memory_space<hbm>>) target(%arg8 : memref<40x128xi32, #tpu.memory_space<vmem>>) target_semaphore(%run_scoped3A : memref<!tpu.dma_semaphore, #tpu.memory_space<semaphore_mem>>)
      %dma_wait3A = arith.constant 0 : i32
      %dma_wait3A_35 = tpu.memref_slice %arg4[%multiple_of3A, %dma_wait3A] : memref<1280x128xi32, #tpu.memory_space<hbm>> -> memref<40x128xi32, #tpu.memory_space<hbm>>
      %dma_wait3A_36 = arith.constant 0 : i32
      %dma_wait3A_37 = tpu.memref_slice %arg4[%multiple_of3A, %dma_wait3A_36] : memref<1280x128xi32, #tpu.memory_space<hbm>> -> memref<40x128xi32, #tpu.memory_space<hbm>>
      tpu.wait_dma2 semaphore(%run_scoped3A : memref<!tpu.dma_semaphore, #tpu.memory_space<semaphore_mem>>) src(%dma_wait3A_37 : memref<40x128xi32, #tpu.memory_space<hbm>>) dst(%arg8 : memref<40x128xi32, #tpu.memory_space<vmem>>)
      tpu.yield
    }) : () -> ()
    %barrier3A = arith.constant 0 : index
    tpu.barrier barrier_id(%barrier3A)
    %dma_start3A = arith.constant 0 : i32
    %dma_start3A_5 = arith.constant 0 : i32
    %dma_start3A_6 = tpu.memref_slice %arg7[%dma_start3A, %dma_start3A_5] : memref<40x128xi32, #tpu.memory_space<vmem>> -> memref<1x128xi32, #tpu.memory_space<vmem>>
    %dma_start3A_7 = tpu.memref_squeeze %dma_start3A_6 : memref<1x128xi32, #tpu.memory_space<vmem>> -> memref<128xi32, #tpu.memory_space<vmem>>
    %dma_start3A_8 = arith.constant 0 : i32
    %dma_start3A_9 = arith.constant 0 : i32
    %dma_start3A_10 = tpu.memref_slice %arg2[%dma_start3A_8, %dma_start3A_9] : memref<10240x128xf32, #tpu.memory_space<hbm>> -> memref<10240x128xf32, #tpu.memory_space<hbm>>
    tpu.enqueue_indirect_dma source(%dma_start3A_10 : memref<10240x128xf32, #tpu.memory_space<hbm>>) target(%arg9 : memref<128x128xf32, #tpu.memory_space<vmem>>) offsets(%dma_start3A_7 : memref<128xi32, #tpu.memory_space<vmem>>) semaphore(%arg12 : memref<!tpu.dma_semaphore, #tpu.memory_space<semaphore_mem>>)
    %dma_start3A_11 = arith.constant 1 : i32
    %dma_start3A_12 = arith.constant 0 : i32
    %dma_start3A_13 = tpu.memref_slice %arg7[%dma_start3A_11, %dma_start3A_12] : memref<40x128xi32, #tpu.memory_space<vmem>> -> memref<1x128xi32, #tpu.memory_space<vmem>>
    %dma_start3A_14 = tpu.memref_squeeze %dma_start3A_13 : memref<1x128xi32, #tpu.memory_space<vmem>> -> memref<128xi32, #tpu.memory_space<vmem>>
    %dma_start3A_15 = arith.constant 0 : i32
    %dma_start3A_16 = arith.constant 0 : i32
    %dma_start3A_17 = tpu.memref_slice %arg2[%dma_start3A_15, %dma_start3A_16] : memref<10240x128xf32, #tpu.memory_space<hbm>> -> memref<10240x128xf32, #tpu.memory_space<hbm>>
    tpu.enqueue_indirect_dma source(%dma_start3A_17 : memref<10240x128xf32, #tpu.memory_space<hbm>>) target(%arg10 : memref<128x128xf32, #tpu.memory_space<vmem>>) offsets(%dma_start3A_14 : memref<128xi32, #tpu.memory_space<vmem>>) semaphore(%arg13 : memref<!tpu.dma_semaphore, #tpu.memory_space<semaphore_mem>>)
    %scan3A = arith.constant 0 : i32
    %scan3A_18 = arith.constant 20 : i32
    %scan3A_19 = arith.addi %scan3A, %scan3A_18 : i32
    %scan3A_20 = arith.constant 1 : i32
    scf.for %scan3A_31 = %scan3A to %scan3A_19 step %scan3A_20  : i32 {
      %mul3A_32 = arith.constant 1 : i32
      %mul3A_33 = arith.muli %scan3A_31, %mul3A_32 : i32
      %add3A_34 = arith.constant 0 : i32
      %add3A_35 = arith.addi %add3A_34, %mul3A_33 : i32
      %mul3A_36 = arith.constant 2 : i32
      %mul3A_37 = arith.muli %add3A_35, %mul3A_36 : i32
      %add3A_38 = arith.constant 0 : i32
      %add3A_39 = arith.addi %mul3A_37, %add3A_38 : i32
      %dma_wait3A = arith.constant 0 : i32
      %dma_wait3A_40 = arith.constant 0 : i32
      %dma_wait3A_41 = tpu.memref_slice %arg7[%dma_wait3A, %dma_wait3A_40] : memref<40x128xi32, #tpu.memory_space<vmem>> -> memref<1x128xi32, #tpu.memory_space<vmem>>
      %dma_wait3A_42 = tpu.memref_squeeze %dma_wait3A_41 : memref<1x128xi32, #tpu.memory_space<vmem>> -> memref<128xi32, #tpu.memory_space<vmem>>
      %dma_wait3A_43 = arith.constant 0 : i32
      %dma_wait3A_44 = arith.constant 0 : i32
      %dma_wait3A_45 = tpu.memref_slice %arg2[%dma_wait3A_43, %dma_wait3A_44] : memref<10240x128xf32, #tpu.memory_space<hbm>> -> memref<10240x128xf32, #tpu.memory_space<hbm>>
      tpu.wait_indirect_dma semaphore(%arg12 : memref<!tpu.dma_semaphore, #tpu.memory_space<semaphore_mem>>) src(%dma_wait3A_45 : memref<10240x128xf32, #tpu.memory_space<hbm>>) dst(%arg9 : memref<128x128xf32, #tpu.memory_space<vmem>>)
      "tpu.region"() ({
        %run_scoped3A = tpu.sem_alloc : memref<!tpu.dma_semaphore, #tpu.memory_space<semaphore_mem>>
        %dma_start3A_66 = arith.constant 0 : i32
        %dma_start3A_67 = tpu.memref_slice %arg8[%add3A_39, %dma_start3A_66] : memref<40x128xi32, #tpu.memory_space<vmem>> -> memref<1x128xi32, #tpu.memory_space<vmem>>
        %dma_start3A_68 = tpu.memref_squeeze %dma_start3A_67 : memref<1x128xi32, #tpu.memory_space<vmem>> -> memref<128xi32, #tpu.memory_space<vmem>>
        %dma_start3A_69 = arith.constant 0 : i32
        %dma_start3A_70 = arith.constant 0 : i32
        %dma_start3A_71 = tpu.memref_slice %arg11[%dma_start3A_69, %dma_start3A_70] : memref<10240x128xf32, #tpu.memory_space<vmem_shared>> -> memref<10240x128xf32, #tpu.memory_space<vmem_shared>>
        tpu.enqueue_indirect_dma source(%arg9 : memref<128x128xf32, #tpu.memory_space<vmem>>) target(%dma_start3A_71 : memref<10240x128xf32, #tpu.memory_space<vmem_shared>>) offsets(%dma_start3A_68 : memref<128xi32, #tpu.memory_space<vmem>>) semaphore(%run_scoped3A : memref<!tpu.dma_semaphore, #tpu.memory_space<semaphore_mem>>) {add = true}
        %dma_wait3A_72 = arith.constant 0 : i32
        %dma_wait3A_73 = tpu.memref_slice %arg8[%add3A_39, %dma_wait3A_72] : memref<40x128xi32, #tpu.memory_space<vmem>> -> memref<1x128xi32, #tpu.memory_space<vmem>>
        %dma_wait3A_74 = tpu.memref_squeeze %dma_wait3A_73 : memref<1x128xi32, #tpu.memory_space<vmem>> -> memref<128xi32, #tpu.memory_space<vmem>>
        %dma_wait3A_75 = arith.constant 0 : i32
        %dma_wait3A_76 = arith.constant 0 : i32
        %dma_wait3A_77 = tpu.memref_slice %arg11[%dma_wait3A_75, %dma_wait3A_76] : memref<10240x128xf32, #tpu.memory_space<vmem_shared>> -> memref<10240x128xf32, #tpu.memory_space<vmem_shared>>
        tpu.wait_indirect_dma semaphore(%run_scoped3A : memref<!tpu.dma_semaphore, #tpu.memory_space<semaphore_mem>>) src(%arg9 : memref<128x128xf32, #tpu.memory_space<vmem>>) dst(%dma_wait3A_77 : memref<10240x128xf32, #tpu.memory_space<vmem_shared>>)
        tpu.yield
      }) : () -> ()
      %add3A_46 = arith.constant 2 : i32
      %add3A_47 = arith.addi %add3A_39, %add3A_46 : i32
      %lt3A = arith.constant 40 : i32
      %lt3A_48 = arith.cmpi slt, %add3A_47, %lt3A : i32
      %convert_element_type3A = arith.extui %lt3A_48 : i1 to i32
      %cond3A = arith.constant 0 : i32
      %cond3A_49 = arith.cmpi ne, %convert_element_type3A, %cond3A : i32
      scf.if %cond3A_49 {
        %add3A_66 = arith.constant 2 : i32
        %add3A_67 = arith.addi %add3A_39, %add3A_66 : i32
        %dma_start3A_68 = arith.constant 0 : i32
        %dma_start3A_69 = tpu.memref_slice %arg7[%add3A_67, %dma_start3A_68] : memref<40x128xi32, #tpu.memory_space<vmem>> -> memref<1x128xi32, #tpu.memory_space<vmem>>
        %dma_start3A_70 = tpu.memref_squeeze %dma_start3A_69 : memref<1x128xi32, #tpu.memory_space<vmem>> -> memref<128xi32, #tpu.memory_space<vmem>>
        %dma_start3A_71 = arith.constant 0 : i32
        %dma_start3A_72 = arith.constant 0 : i32
        %dma_start3A_73 = tpu.memref_slice %arg2[%dma_start3A_71, %dma_start3A_72] : memref<10240x128xf32, #tpu.memory_space<hbm>> -> memref<10240x128xf32, #tpu.memory_space<hbm>>
        tpu.enqueue_indirect_dma source(%dma_start3A_73 : memref<10240x128xf32, #tpu.memory_space<hbm>>) target(%arg9 : memref<128x128xf32, #tpu.memory_space<vmem>>) offsets(%dma_start3A_70 : memref<128xi32, #tpu.memory_space<vmem>>) semaphore(%arg12 : memref<!tpu.dma_semaphore, #tpu.memory_space<semaphore_mem>>)
      } else {
      }
      %add3A_50 = arith.constant 1 : i32
      %add3A_51 = arith.addi %mul3A_37, %add3A_50 : i32
      %dma_wait3A_52 = arith.constant 0 : i32
      %dma_wait3A_53 = arith.constant 0 : i32
      %dma_wait3A_54 = tpu.memref_slice %arg7[%dma_wait3A_52, %dma_wait3A_53] : memref<40x128xi32, #tpu.memory_space<vmem>> -> memref<1x128xi32, #tpu.memory_space<vmem>>
      %dma_wait3A_55 = tpu.memref_squeeze %dma_wait3A_54 : memref<1x128xi32, #tpu.memory_space<vmem>> -> memref<128xi32, #tpu.memory_space<vmem>>
      %dma_wait3A_56 = arith.constant 0 : i32
      %dma_wait3A_57 = arith.constant 0 : i32
      %dma_wait3A_58 = tpu.memref_slice %arg2[%dma_wait3A_56, %dma_wait3A_57] : memref<10240x128xf32, #tpu.memory_space<hbm>> -> memref<10240x128xf32, #tpu.memory_space<hbm>>
      tpu.wait_indirect_dma semaphore(%arg13 : memref<!tpu.dma_semaphore, #tpu.memory_space<semaphore_mem>>) src(%dma_wait3A_58 : memref<10240x128xf32, #tpu.memory_space<hbm>>) dst(%arg10 : memref<128x128xf32, #tpu.memory_space<vmem>>)
      "tpu.region"() ({
        %run_scoped3A = tpu.sem_alloc : memref<!tpu.dma_semaphore, #tpu.memory_space<semaphore_mem>>
        %dma_start3A_66 = arith.constant 0 : i32
        %dma_start3A_67 = tpu.memref_slice %arg8[%add3A_51, %dma_start3A_66] : memref<40x128xi32, #tpu.memory_space<vmem>> -> memref<1x128xi32, #tpu.memory_space<vmem>>
        %dma_start3A_68 = tpu.memref_squeeze %dma_start3A_67 : memref<1x128xi32, #tpu.memory_space<vmem>> -> memref<128xi32, #tpu.memory_space<vmem>>
        %dma_start3A_69 = arith.constant 0 : i32
        %dma_start3A_70 = arith.constant 0 : i32
        %dma_start3A_71 = tpu.memref_slice %arg11[%dma_start3A_69, %dma_start3A_70] : memref<10240x128xf32, #tpu.memory_space<vmem_shared>> -> memref<10240x128xf32, #tpu.memory_space<vmem_shared>>
        tpu.enqueue_indirect_dma source(%arg10 : memref<128x128xf32, #tpu.memory_space<vmem>>) target(%dma_start3A_71 : memref<10240x128xf32, #tpu.memory_space<vmem_shared>>) offsets(%dma_start3A_68 : memref<128xi32, #tpu.memory_space<vmem>>) semaphore(%run_scoped3A : memref<!tpu.dma_semaphore, #tpu.memory_space<semaphore_mem>>) {add = true}
        %dma_wait3A_72 = arith.constant 0 : i32
        %dma_wait3A_73 = tpu.memref_slice %arg8[%add3A_51, %dma_wait3A_72] : memref<40x128xi32, #tpu.memory_space<vmem>> -> memref<1x128xi32, #tpu.memory_space<vmem>>
        %dma_wait3A_74 = tpu.memref_squeeze %dma_wait3A_73 : memref<1x128xi32, #tpu.memory_space<vmem>> -> memref<128xi32, #tpu.memory_space<vmem>>
        %dma_wait3A_75 = arith.constant 0 : i32
        %dma_wait3A_76 = arith.constant 0 : i32
        %dma_wait3A_77 = tpu.memref_slice %arg11[%dma_wait3A_75, %dma_wait3A_76] : memref<10240x128xf32, #tpu.memory_space<vmem_shared>> -> memref<10240x128xf32, #tpu.memory_space<vmem_shared>>
        tpu.wait_indirect_dma semaphore(%run_scoped3A : memref<!tpu.dma_semaphore, #tpu.memory_space<semaphore_mem>>) src(%arg10 : memref<128x128xf32, #tpu.memory_space<vmem>>) dst(%dma_wait3A_77 : memref<10240x128xf32, #tpu.memory_space<vmem_shared>>)
        tpu.yield
      }) : () -> ()
      %add3A_59 = arith.constant 2 : i32
      %add3A_60 = arith.addi %add3A_51, %add3A_59 : i32
      %lt3A_61 = arith.constant 40 : i32
      %lt3A_62 = arith.cmpi slt, %add3A_60, %lt3A_61 : i32
      %convert_element_type3A_63 = arith.extui %lt3A_62 : i1 to i32
      %cond3A_64 = arith.constant 0 : i32
      %cond3A_65 = arith.cmpi ne, %convert_element_type3A_63, %cond3A_64 : i32
      scf.if %cond3A_65 {
        %add3A_66 = arith.constant 2 : i32
        %add3A_67 = arith.addi %add3A_51, %add3A_66 : i32
        %dma_start3A_68 = arith.constant 0 : i32
        %dma_start3A_69 = tpu.memref_slice %arg7[%add3A_67, %dma_start3A_68] : memref<40x128xi32, #tpu.memory_space<vmem>> -> memref<1x128xi32, #tpu.memory_space<vmem>>
        %dma_start3A_70 = tpu.memref_squeeze %dma_start3A_69 : memref<1x128xi32, #tpu.memory_space<vmem>> -> memref<128xi32, #tpu.memory_space<vmem>>
        %dma_start3A_71 = arith.constant 0 : i32
        %dma_start3A_72 = arith.constant 0 : i32
        %dma_start3A_73 = tpu.memref_slice %arg2[%dma_start3A_71, %dma_start3A_72] : memref<10240x128xf32, #tpu.memory_space<hbm>> -> memref<10240x128xf32, #tpu.memory_space<hbm>>
        tpu.enqueue_indirect_dma source(%dma_start3A_73 : memref<10240x128xf32, #tpu.memory_space<hbm>>) target(%arg10 : memref<128x128xf32, #tpu.memory_space<vmem>>) offsets(%dma_start3A_70 : memref<128xi32, #tpu.memory_space<vmem>>) semaphore(%arg13 : memref<!tpu.dma_semaphore, #tpu.memory_space<semaphore_mem>>)
      } else {
      }
    }
    %scan3A_21 = arith.constant 20 : i32
    %barrier3A_22 = arith.constant 0 : index
    tpu.barrier barrier_id(%barrier3A_22)
    %mul3A_23 = arith.constant 10240 : i32
    %mul3A_24 = arith.muli %arg0, %mul3A_23 : i32
    %mul3A_25 = arith.constant 640 : i32
    %mul3A_26 = arith.muli %arg1, %mul3A_25 : i32
    %add3A_27 = arith.addi %mul3A_24, %mul3A_26 : i32
    %multiple_of3A_28 = tpu.assume_multiple %add3A_27, 8 : i32
    %mul3A_29 = arith.constant 640 : i32
    %mul3A_30 = arith.muli %arg1, %mul3A_29 : i32
    "tpu.region"() ({
      %run_scoped3A = tpu.sem_alloc : memref<!tpu.dma_semaphore, #tpu.memory_space<semaphore_mem>>
      %dma_start3A_31 = arith.constant 0 : i32
      %dma_start3A_32 = tpu.memref_slice %arg6[%multiple_of3A_28, %dma_start3A_31] : memref<20480x128xf32, #tpu.memory_space<hbm>> -> memref<640x128xf32, #tpu.memory_space<hbm>>
      %dma_start3A_33 = arith.constant 0 : i32
      %dma_start3A_34 = tpu.memref_slice %arg11[%mul3A_30, %dma_start3A_33] : memref<10240x128xf32, #tpu.memory_space<vmem_shared>> -> memref<640x128xf32, #tpu.memory_space<vmem_shared>>
      tpu.enqueue_dma source(%dma_start3A_34 : memref<640x128xf32, #tpu.memory_space<vmem_shared>>) target(%dma_start3A_32 : memref<640x128xf32, #tpu.memory_space<hbm>>) target_semaphore(%run_scoped3A : memref<!tpu.dma_semaphore, #tpu.memory_space<semaphore_mem>>)
      %dma_wait3A = arith.constant 0 : i32
      %dma_wait3A_35 = tpu.memref_slice %arg6[%multiple_of3A_28, %dma_wait3A] : memref<20480x128xf32, #tpu.memory_space<hbm>> -> memref<640x128xf32, #tpu.memory_space<hbm>>
      %dma_wait3A_36 = arith.constant 0 : i32
      %dma_wait3A_37 = tpu.memref_slice %arg11[%mul3A_30, %dma_wait3A_36] : memref<10240x128xf32, #tpu.memory_space<vmem_shared>> -> memref<640x128xf32, #tpu.memory_space<vmem_shared>>
      tpu.wait_dma2 semaphore(%run_scoped3A : memref<!tpu.dma_semaphore, #tpu.memory_space<semaphore_mem>>) src(%dma_wait3A_37 : memref<640x128xf32, #tpu.memory_space<vmem_shared>>) dst(%dma_wait3A_35 : memref<640x128xf32, #tpu.memory_space<hbm>>)
      tpu.yield
    }) : () -> ()
    return
  }
}

module attributes {stable_mosaic.version = 14 : i64} {
  func.func @_tc1_body(%arg0: i32, %arg1: memref<1024x256xf32, #tpu.memory_space<vmem>>, %arg2: memref<256x128xf32, #tpu.memory_space<vmem>>, %arg3: memref<1024x128xf32, #tpu.memory_space<vmem>>) attributes {dimension_semantics = [#tpu.dimension_semantics<arbitrary>], iteration_bounds = array<i64: 10>, scalar_prefetch = 0 : i64, scratch_operands = 0 : i64, tpu.core_type = #tpu.core_type<tc>, window_params = [{transform_indices = @transform_0, window_bounds = array<i64: 1024, 256>}, {pipeline_mode = #tpu.pipeline_mode<synchronous>, transform_indices = @transform_1, window_bounds = array<i64: 256, 128>}, {transform_indices = @transform_2, window_bounds = array<i64: 1024, 128>}]} {
    %get3A = arith.constant 0 : index
    %get3A_0 = arith.constant 0 : index
    %get3A_1 = vector.load %arg1[%get3A, %get3A_0] : memref<1024x256xf32, #tpu.memory_space<vmem>>, vector<1024x256xf32>
    %get3A_2 = arith.constant 0 : index
    %get3A_3 = arith.constant 0 : index
    %get3A_4 = vector.load %arg2[%get3A_2, %get3A_3] : memref<256x128xf32, #tpu.memory_space<vmem>>, vector<256x128xf32>
    %dot_general3A = arith.constant dense<0.000000e+00> : vector<1024x128xf32>
    %dot_general3A_5 = tpu.matmul %get3A_1, %get3A_4, %dot_general3A {dimension_numbers = #tpu.dot_dimension_numbers<[1], [0], [0], [1], [0, 0, 1, 1], [], []>, transpose_lhs_hint = false} : vector<1024x256xf32>, vector<256x128xf32>, vector<1024x128xf32> -> vector<1024x128xf32>
    %iota3A = tpu.iota {dimensions = array<i32: 1>} : vector<1x128xi32>
    %eq3A = arith.constant 100 : i32
    %eq3A_6 = vector.broadcast %eq3A : i32 to vector<1x128xi32>
    %eq3A_7 = arith.cmpi eq, %iota3A, %eq3A_6 : vector<1x128xi32>
    %convert_element_type3A = arith.extui %eq3A_7 : vector<1x128xi1> to vector<1x128xi32>
    %convert_element_type3A_8 = arith.sitofp %convert_element_type3A : vector<1x128xi32> to vector<1x128xf32>
    %add3A = vector.broadcast %convert_element_type3A_8 : vector<1x128xf32> to vector<1024x128xf32>
    %add3A_9 = arith.addf %dot_general3A_5, %add3A : vector<1024x128xf32>
    %swap3A = arith.constant 0 : index
    %swap3A_10 = arith.constant 0 : index
    %swap3A_11 = vector.load %arg3[%swap3A, %swap3A_10] : memref<1024x128xf32, #tpu.memory_space<vmem>>, vector<1024x128xf32>
    tpu.vector_store %arg3[%swap3A, %swap3A_10], %add3A_9 {strides = array<i32>} : memref<1024x128xf32, #tpu.memory_space<vmem>>, vector<1024x128xf32>,
    return
  }
  func.func @transform_0(%arg0: i32) -> (i32, i32) {
    %c0_i32 = arith.constant 0 : i32
    %c0_i32_0 = arith.constant 0 : i32
    return %arg0, %c0_i32 : i32, i32
  }
  func.func @transform_1(%arg0: i32) -> (i32, i32) {
    %c0_i32 = arith.constant 0 : i32
    %c0_i32_0 = arith.constant 0 : i32
    %c0_i32_1 = arith.constant 0 : i32
    return %c0_i32, %c0_i32_0 : i32, i32
  }
  func.func @transform_2(%arg0: i32) -> (i32, i32) {
    %c0_i32 = arith.constant 0 : i32
    %c0_i32_0 = arith.constant 0 : i32
    return %arg0, %c0_i32 : i32, i32
  }
}

module attributes {stable_mosaic.version = 14 : i64} {
  func.func @_tc2_body(%arg0: i32, %arg1: memref<1024x128xf32, #tpu.memory_space<vmem>>, %arg2: memref<1024x128xf32, #tpu.memory_space<vmem>>, %arg3: memref<1024x128xf32, #tpu.memory_space<vmem>>, %arg4: memref<1x128xf32, #tpu.memory_space<vmem>>, %arg5: memref<128x128xf32, #tpu.memory_space<vmem>>, %arg6: memref<1024x128xf32, #tpu.memory_space<vmem>>) attributes {dimension_semantics = [#tpu.dimension_semantics<arbitrary>], iteration_bounds = array<i64: 10>, scalar_prefetch = 0 : i64, scratch_operands = 0 : i64, tpu.core_type = #tpu.core_type<tc>, window_params = [{transform_indices = @transform_0, window_bounds = array<i64: 1024, 128>}, {transform_indices = @transform_1, window_bounds = array<i64: 1024, 128>}, {transform_indices = @transform_2, window_bounds = array<i64: 1024, 128>}, {pipeline_mode = #tpu.pipeline_mode<synchronous>, transform_indices = @transform_3, window_bounds = array<i64: 1, 128>}, {pipeline_mode = #tpu.pipeline_mode<synchronous>, transform_indices = @transform_4, window_bounds = array<i64: 128, 128>}, {transform_indices = @transform_5, window_bounds = array<i64: 1024, 128>}]} {
    %get3A = arith.constant 0 : index
    %get3A_0 = arith.constant 0 : index
    %get3A_1 = vector.load %arg1[%get3A, %get3A_0] : memref<1024x128xf32, #tpu.memory_space<vmem>>, vector<1024x128xf32>
    %get3A_2 = arith.constant 0 : index
    %get3A_3 = arith.constant 0 : index
    %get3A_4 = vector.load %arg2[%get3A_2, %get3A_3] : memref<1024x128xf32, #tpu.memory_space<vmem>>, vector<1024x128xf32>
    %add3A = arith.addf %get3A_1, %get3A_4 : vector<1024x128xf32>
    %iota3A = tpu.iota {dimensions = array<i32: 1>} : vector<1x128xi32>
    %eq3A = arith.constant 100 : i32
    %eq3A_5 = vector.broadcast %eq3A : i32 to vector<1x128xi32>
    %eq3A_6 = arith.cmpi eq, %iota3A, %eq3A_5 : vector<1x128xi32>
    %convert_element_type3A = arith.extui %eq3A_6 : vector<1x128xi1> to vector<1x128xi32>
    %convert_element_type3A_7 = arith.sitofp %convert_element_type3A : vector<1x128xi32> to vector<1x128xf32>
    %mul3A = vector.broadcast %convert_element_type3A_7 : vector<1x128xf32> to vector<1024x128xf32>
    %mul3A_8 = arith.mulf %add3A, %mul3A : vector<1024x128xf32>
    %reduce_sum3A = arith.constant dense<0.000000e+00> : vector<1024xf32>
    %reduce_sum3A_9 = vector.multi_reduction <add>, %mul3A_8, %reduce_sum3A [1] : vector<1024x128xf32> to vector<1024xf32>
    %broadcast_in_dim3A = vector.shape_cast %reduce_sum3A_9 : vector<1024xf32> to vector<1024x1xf32>
    %max3A = arith.constant 1.000000e+00 : f32
    %max3A_10 = vector.broadcast %max3A : f32 to vector<1024x1xf32>
    %max3A_11 = arith.maximumf %broadcast_in_dim3A, %max3A_10 : vector<1024x1xf32>
    %div3A = vector.broadcast %max3A_11 : vector<1024x1xf32> to vector<1024x128xf32>
    %div3A_12 = arith.divf %add3A, %div3A : vector<1024x128xf32>
    %gt3A = arith.constant 0.000000e+00 : f32
    %gt3A_13 = vector.broadcast %gt3A : f32 to vector<1024x1xf32>
    %gt3A_14 = arith.cmpf ogt, %broadcast_in_dim3A, %gt3A_13 : vector<1024x1xf32>
    %get3A_15 = arith.constant 0 : index
    %get3A_16 = arith.constant 0 : index
    %get3A_17 = vector.load %arg3[%get3A_15, %get3A_16] : memref<1024x128xf32, #tpu.memory_space<vmem>>, vector<1024x128xf32>
    %broadcast_in_dim3A_18 = vector.shape_cast %gt3A_14 : vector<1024x1xi1> to vector<1024x1xi1>
    %broadcast_in_dim3A_19 = vector.broadcast %broadcast_in_dim3A_18 : vector<1024x1xi1> to vector<1024x128xi1>
    %select_n3A = arith.select %broadcast_in_dim3A_19, %div3A_12, %get3A_17 : vector<1024x128xi1>, vector<1024x128xf32>
    %get3A_20 = arith.constant 0 : index
    %get3A_21 = arith.constant 0 : index
    %get3A_22 = vector.load %arg4[%get3A_20, %get3A_21] : memref<1x128xf32, #tpu.memory_space<vmem>>, vector<1x128xf32>
    %add3A_23 = vector.broadcast %get3A_22 : vector<1x128xf32> to vector<1024x128xf32>
    %add3A_24 = arith.addf %select_n3A, %add3A_23 : vector<1024x128xf32>
    %max3A_25 = arith.constant 0.000000e+00 : f32
    %max3A_26 = vector.broadcast %max3A_25 : f32 to vector<1024x128xf32>
    %max3A_27 = arith.maximumf %add3A_24, %max3A_26 : vector<1024x128xf32>
    %get3A_28 = arith.constant 0 : index
    %get3A_29 = arith.constant 0 : index
    %get3A_30 = vector.load %arg5[%get3A_28, %get3A_29] : memref<128x128xf32, #tpu.memory_space<vmem>>, vector<128x128xf32>
    %dot_general3A = arith.constant dense<0.000000e+00> : vector<1024x128xf32>
    %dot_general3A_31 = tpu.matmul %max3A_27, %get3A_30, %dot_general3A {dimension_numbers = #tpu.dot_dimension_numbers<[1], [0], [0], [1], [0, 0, 1, 1], [], []>, transpose_lhs_hint = false} : vector<1024x128xf32>, vector<128x128xf32>, vector<1024x128xf32> -> vector<1024x128xf32>
    %iota3A_32 = tpu.iota {dimensions = array<i32: 1>} : vector<1x128xi32>
    %eq3A_33 = arith.constant 20 : i32
    %eq3A_34 = vector.broadcast %eq3A_33 : i32 to vector<1x128xi32>
    %eq3A_35 = arith.cmpi eq, %iota3A_32, %eq3A_34 : vector<1x128xi32>
    %convert_element_type3A_36 = arith.extui %eq3A_35 : vector<1x128xi1> to vector<1x128xi32>
    %convert_element_type3A_37 = arith.sitofp %convert_element_type3A_36 : vector<1x128xi32> to vector<1x128xf32>
    %add3A_38 = vector.broadcast %convert_element_type3A_37 : vector<1x128xf32> to vector<1024x128xf32>
    %add3A_39 = arith.addf %dot_general3A_31, %add3A_38 : vector<1024x128xf32>
    %eq3A_40 = arith.constant 21 : i32
    %eq3A_41 = vector.broadcast %eq3A_40 : i32 to vector<1x128xi32>
    %eq3A_42 = arith.cmpi eq, %iota3A_32, %eq3A_41 : vector<1x128xi32>
    %convert_element_type3A_43 = arith.extui %eq3A_42 : vector<1x128xi1> to vector<1x128xi32>
    %convert_element_type3A_44 = arith.sitofp %convert_element_type3A_43 : vector<1x128xi32> to vector<1x128xf32>
    %mul3A_45 = vector.broadcast %convert_element_type3A_44 : vector<1x128xf32> to vector<1024x128xf32>
    %mul3A_46 = vector.broadcast %broadcast_in_dim3A : vector<1024x1xf32> to vector<1024x128xf32>
    %mul3A_47 = arith.mulf %mul3A_45, %mul3A_46 : vector<1024x128xf32>
    %add3A_48 = arith.addf %add3A_39, %mul3A_47 : vector<1024x128xf32>
    %swap3A = arith.constant 0 : index
    %swap3A_49 = arith.constant 0 : index
    %swap3A_50 = vector.load %arg6[%swap3A, %swap3A_49] : memref<1024x128xf32, #tpu.memory_space<vmem>>, vector<1024x128xf32>
    tpu.vector_store %arg6[%swap3A, %swap3A_49], %add3A_48 {strides = array<i32>} : memref<1024x128xf32, #tpu.memory_space<vmem>>, vector<1024x128xf32>,
    return
  }
  func.func @transform_0(%arg0: i32) -> (i32, i32) {
    %c0_i32 = arith.constant 0 : i32
    %c0_i32_0 = arith.constant 0 : i32
    return %arg0, %c0_i32 : i32, i32
  }
  func.func @transform_1(%arg0: i32) -> (i32, i32) {
    %add3A = arith.constant 10 : i32
    %add3A_0 = arith.addi %arg0, %add3A : i32
    %c0_i32 = arith.constant 0 : i32
    %c0_i32_1 = arith.constant 0 : i32
    return %add3A_0, %c0_i32 : i32, i32
  }
  func.func @transform_2(%arg0: i32) -> (i32, i32) {
    %c0_i32 = arith.constant 0 : i32
    %c0_i32_0 = arith.constant 0 : i32
    return %arg0, %c0_i32 : i32, i32
  }
  func.func @transform_3(%arg0: i32) -> (i32, i32) {
    %c0_i32 = arith.constant 0 : i32
    %c0_i32_0 = arith.constant 0 : i32
    %c0_i32_1 = arith.constant 0 : i32
    return %c0_i32, %c0_i32_0 : i32, i32
  }
  func.func @transform_4(%arg0: i32) -> (i32, i32) {
    %c0_i32 = arith.constant 0 : i32
    %c0_i32_0 = arith.constant 0 : i32
    %c0_i32_1 = arith.constant 0 : i32
    return %c0_i32, %c0_i32_0 : i32, i32
  }
  func.func @transform_5(%arg0: i32) -> (i32, i32) {
    %c0_i32 = arith.constant 0 : i32
    %c0_i32_0 = arith.constant 0 : i32
    return %arg0, %c0_i32 : i32, i32
  }
}

module attributes {stable_mosaic.version = 14 : i64} {
  func.func @_tc3_body(%arg0: i32, %arg1: memref<1024x128xf32, #tpu.memory_space<vmem>>, %arg2: memref<1024x128xf32, #tpu.memory_space<vmem>>, %arg3: memref<1024x128xf32, #tpu.memory_space<vmem>>, %arg4: memref<1x128xf32, #tpu.memory_space<vmem>>, %arg5: memref<1x1x1024xi32, #tpu.memory_space<vmem>>, %arg6: memref<64x128xf32, #tpu.memory_space<vmem>>, %arg7: memref<64x128xf32, #tpu.memory_space<vmem>>) attributes {dimension_semantics = [#tpu.dimension_semantics<arbitrary>], iteration_bounds = array<i64: 10>, scalar_prefetch = 0 : i64, scratch_operands = 1 : i64, tpu.core_type = #tpu.core_type<tc>, window_params = [{transform_indices = @transform_0, window_bounds = array<i64: 1024, 128>}, {transform_indices = @transform_1, window_bounds = array<i64: 1024, 128>}, {transform_indices = @transform_2, window_bounds = array<i64: 1024, 128>}, {pipeline_mode = #tpu.pipeline_mode<synchronous>, transform_indices = @transform_3, window_bounds = array<i64: 1, 128>}, {transform_indices = @transform_4, window_bounds = array<i64: 1, 1, 1024>}, {pipeline_mode = #tpu.pipeline_mode<synchronous>, transform_indices = @transform_5, window_bounds = array<i64: 64, 128>}]} {
    %get3A = arith.constant 0 : index
    %get3A_0 = arith.constant 0 : index
    %get3A_1 = vector.load %arg1[%get3A, %get3A_0] : memref<1024x128xf32, #tpu.memory_space<vmem>>, vector<1024x128xf32>
    %get3A_2 = arith.constant 0 : index
    %get3A_3 = arith.constant 0 : index
    %get3A_4 = vector.load %arg2[%get3A_2, %get3A_3] : memref<1024x128xf32, #tpu.memory_space<vmem>>, vector<1024x128xf32>
    %add3A = arith.addf %get3A_1, %get3A_4 : vector<1024x128xf32>
    %get3A_5 = arith.constant 0 : index
    %get3A_6 = arith.constant 0 : index
    %get3A_7 = vector.load %arg3[%get3A_5, %get3A_6] : memref<1024x128xf32, #tpu.memory_space<vmem>>, vector<1024x128xf32>
    %iota3A = tpu.iota {dimensions = array<i32: 1>} : vector<1x128xi32>
    %eq3A = arith.constant 21 : i32
    %eq3A_8 = vector.broadcast %eq3A : i32 to vector<1x128xi32>
    %eq3A_9 = arith.cmpi eq, %iota3A, %eq3A_8 : vector<1x128xi32>
    %convert_element_type3A = arith.extui %eq3A_9 : vector<1x128xi1> to vector<1x128xi32>
    %convert_element_type3A_10 = arith.sitofp %convert_element_type3A : vector<1x128xi32> to vector<1x128xf32>
    %mul3A = vector.broadcast %convert_element_type3A_10 : vector<1x128xf32> to vector<1024x128xf32>
    %mul3A_11 = arith.mulf %get3A_7, %mul3A : vector<1024x128xf32>
    %reduce_sum3A = arith.constant dense<0.000000e+00> : vector<1024xf32>
    %reduce_sum3A_12 = vector.multi_reduction <add>, %mul3A_11, %reduce_sum3A [1] : vector<1024x128xf32> to vector<1024xf32>
    %broadcast_in_dim3A = vector.shape_cast %reduce_sum3A_12 : vector<1024xf32> to vector<1024x1xf32>
    %max3A = arith.constant 1.000000e+00 : f32
    %max3A_13 = vector.broadcast %max3A : f32 to vector<1024x1xf32>
    %max3A_14 = arith.maximumf %broadcast_in_dim3A, %max3A_13 : vector<1024x1xf32>
    %div3A = vector.broadcast %max3A_14 : vector<1024x1xf32> to vector<1024x128xf32>
    %div3A_15 = arith.divf %add3A, %div3A : vector<1024x128xf32>
    %gt3A = arith.constant 0.000000e+00 : f32
    %gt3A_16 = vector.broadcast %gt3A : f32 to vector<1024x1xf32>
    %gt3A_17 = arith.cmpf ogt, %broadcast_in_dim3A, %gt3A_16 : vector<1024x1xf32>
    %broadcast_in_dim3A_18 = vector.shape_cast %gt3A_17 : vector<1024x1xi1> to vector<1024x1xi1>
    %broadcast_in_dim3A_19 = vector.broadcast %broadcast_in_dim3A_18 : vector<1024x1xi1> to vector<1024x128xi1>
    %select_n3A = arith.select %broadcast_in_dim3A_19, %div3A_15, %get3A_7 : vector<1024x128xi1>, vector<1024x128xf32>
    %get3A_20 = arith.constant 0 : index
    %get3A_21 = arith.constant 0 : index
    %get3A_22 = vector.load %arg4[%get3A_20, %get3A_21] : memref<1x128xf32, #tpu.memory_space<vmem>>, vector<1x128xf32>
    %add3A_23 = vector.broadcast %get3A_22 : vector<1x128xf32> to vector<1024x128xf32>
    %add3A_24 = arith.addf %select_n3A, %add3A_23 : vector<1024x128xf32>
    %max3A_25 = arith.constant 0.000000e+00 : f32
    %max3A_26 = vector.broadcast %max3A_25 : f32 to vector<1024x128xf32>
    %max3A_27 = arith.maximumf %add3A_24, %max3A_26 : vector<1024x128xf32>
    %le3A = arith.constant 20 : i32
    %le3A_28 = vector.broadcast %le3A : i32 to vector<1x128xi32>
    %le3A_29 = arith.cmpi sle, %iota3A, %le3A_28 : vector<1x128xi32>
    %convert_element_type3A_30 = arith.extui %le3A_29 : vector<1x128xi1> to vector<1x128xi32>
    %convert_element_type3A_31 = arith.sitofp %convert_element_type3A_30 : vector<1x128xi32> to vector<1x128xf32>
    %mul3A_32 = vector.broadcast %convert_element_type3A_31 : vector<1x128xf32> to vector<1024x128xf32>
    %mul3A_33 = arith.mulf %max3A_27, %mul3A_32 : vector<1024x128xf32>
    %get3A_34 = arith.constant 0 : index
    %get3A_35 = arith.constant 0 : index
    %get3A_36 = arith.constant 0 : index
    %get3A_37 = vector.load %arg5[%get3A_34, %get3A_35, %get3A_36] : memref<1x1x1024xi32, #tpu.memory_space<vmem>>, vector<1x1x1024xi32>
    %get3A_38 = vector.shape_cast %get3A_37 : vector<1x1x1024xi32> to vector<1x1024xi32>
    %iota3A_39 = tpu.iota {dimensions = array<i32: 0>} : vector<64x1024xi32>
    %eq3A_40 = vector.broadcast %get3A_38 : vector<1x1024xi32> to vector<64x1024xi32>
    %eq3A_41 = arith.cmpi eq, %iota3A_39, %eq3A_40 : vector<64x1024xi32>
    %convert_element_type3A_42 = arith.extui %eq3A_41 : vector<64x1024xi1> to vector<64x1024xi32>
    %convert_element_type3A_43 = arith.sitofp %convert_element_type3A_42 : vector<64x1024xi32> to vector<64x1024xf32>
    %dot_general3A = arith.constant dense<0.000000e+00> : vector<64x128xf32>
    %dot_general3A_44 = tpu.matmul %convert_element_type3A_43, %mul3A_33, %dot_general3A {dimension_numbers = #tpu.dot_dimension_numbers<[1], [0], [0], [1], [0, 0, 1, 1], [], []>, precision = #tpu.contract_precision<fp32>, transpose_lhs_hint = false} : vector<64x1024xf32>, vector<1024x128xf32>, vector<64x128xf32> -> vector<64x128xf32>
    %eq3A_45 = arith.constant 0 : i32
    %eq3A_46 = arith.cmpi eq, %arg0, %eq3A_45 : i32
    %convert_element_type3A_47 = arith.extui %eq3A_46 : i1 to i32
    %cond3A = arith.constant 0 : i32
    %cond3A_48 = arith.cmpi ne, %convert_element_type3A_47, %cond3A : i32
    scf.if %cond3A_48 {
      %broadcast_in_dim3A_60 = arith.constant 0.000000e+00 : f32
      %broadcast_in_dim3A_61 = vector.broadcast %broadcast_in_dim3A_60 : f32 to vector<64x128xf32>
      %swap3A_62 = arith.constant 0 : index
      %swap3A_63 = arith.constant 0 : index
      %swap3A_64 = vector.load %arg7[%swap3A_62, %swap3A_63] : memref<64x128xf32, #tpu.memory_space<vmem>>, vector<64x128xf32>
      tpu.vector_store %arg7[%swap3A_62, %swap3A_63], %broadcast_in_dim3A_61 {strides = array<i32>} : memref<64x128xf32, #tpu.memory_space<vmem>>, vector<64x128xf32>,
    } else {
    }
    %get3A_49 = arith.constant 0 : index
    %get3A_50 = arith.constant 0 : index
    %get3A_51 = vector.load %arg7[%get3A_49, %get3A_50] : memref<64x128xf32, #tpu.memory_space<vmem>>, vector<64x128xf32>
    %add3A_52 = arith.addf %get3A_51, %dot_general3A_44 : vector<64x128xf32>
    %swap3A = arith.constant 0 : index
    %swap3A_53 = arith.constant 0 : index
    %swap3A_54 = vector.load %arg7[%swap3A, %swap3A_53] : memref<64x128xf32, #tpu.memory_space<vmem>>, vector<64x128xf32>
    tpu.vector_store %arg7[%swap3A, %swap3A_53], %add3A_52 {strides = array<i32>} : memref<64x128xf32, #tpu.memory_space<vmem>>, vector<64x128xf32>,
    %eq3A_55 = arith.constant 9 : i32
    %eq3A_56 = arith.cmpi eq, %arg0, %eq3A_55 : i32
    %convert_element_type3A_57 = arith.extui %eq3A_56 : i1 to i32
    %cond3A_58 = arith.constant 0 : i32
    %cond3A_59 = arith.cmpi ne, %convert_element_type3A_57, %cond3A_58 : i32
    scf.if %cond3A_59 {
      %get3A_60 = arith.constant 0 : index
      %get3A_61 = arith.constant 0 : index
      %get3A_62 = vector.load %arg7[%get3A_60, %get3A_61] : memref<64x128xf32, #tpu.memory_space<vmem>>, vector<64x128xf32>
      %swap3A_63 = arith.constant 0 : index
      %swap3A_64 = arith.constant 0 : index
      %swap3A_65 = vector.load %arg6[%swap3A_63, %swap3A_64] : memref<64x128xf32, #tpu.memory_space<vmem>>, vector<64x128xf32>
      tpu.vector_store %arg6[%swap3A_63, %swap3A_64], %get3A_62 {strides = array<i32>} : memref<64x128xf32, #tpu.memory_space<vmem>>, vector<64x128xf32>,
    } else {
    }
    return
  }
  func.func @transform_0(%arg0: i32) -> (i32, i32) {
    %c0_i32 = arith.constant 0 : i32
    %c0_i32_0 = arith.constant 0 : i32
    return %arg0, %c0_i32 : i32, i32
  }
  func.func @transform_1(%arg0: i32) -> (i32, i32) {
    %add3A = arith.constant 10 : i32
    %add3A_0 = arith.addi %arg0, %add3A : i32
    %c0_i32 = arith.constant 0 : i32
    %c0_i32_1 = arith.constant 0 : i32
    return %add3A_0, %c0_i32 : i32, i32
  }
  func.func @transform_2(%arg0: i32) -> (i32, i32) {
    %c0_i32 = arith.constant 0 : i32
    %c0_i32_0 = arith.constant 0 : i32
    return %arg0, %c0_i32 : i32, i32
  }
  func.func @transform_3(%arg0: i32) -> (i32, i32) {
    %c0_i32 = arith.constant 0 : i32
    %c0_i32_0 = arith.constant 0 : i32
    %c0_i32_1 = arith.constant 0 : i32
    return %c0_i32, %c0_i32_0 : i32, i32
  }
  func.func @transform_4(%arg0: i32) -> (i32, i32, i32) {
    %c0_i32 = arith.constant 0 : i32
    %c0_i32_0 = arith.constant 0 : i32
    %c0_i32_1 = arith.constant 0 : i32
    return %arg0, %c0_i32, %c0_i32_0 : i32, i32, i32
  }
  func.func @transform_5(%arg0: i32) -> (i32, i32) {
    %c0_i32 = arith.constant 0 : i32
    %c0_i32_0 = arith.constant 0 : i32
    %c0_i32_1 = arith.constant 0 : i32
    return %c0_i32, %c0_i32_0 : i32, i32
  }
}

module attributes {stable_mosaic.version = 14 : i64} {
  func.func @_tc4_body(%arg0: i32, %arg1: memref<64x128xf32, #tpu.memory_space<vmem>>, %arg2: memref<64x200xf32, #tpu.memory_space<vmem>>, %arg3: memref<64x300xf32, #tpu.memory_space<vmem>>, %arg4: memref<128x32xf32, #tpu.memory_space<vmem>>, %arg5: memref<1x32xf32, #tpu.memory_space<vmem>>, %arg6: memref<200x32xf32, #tpu.memory_space<vmem>>, %arg7: memref<1x32xf32, #tpu.memory_space<vmem>>, %arg8: memref<300x32xf32, #tpu.memory_space<vmem>>, %arg9: memref<1x32xf32, #tpu.memory_space<vmem>>, %arg10: memref<32x32xf32, #tpu.memory_space<vmem>>, %arg11: memref<32x32xf32, #tpu.memory_space<vmem>>, %arg12: memref<22869x128xf32, #tpu.memory_space<vmem>>, %arg13: memref<1x4096xf32, #tpu.memory_space<vmem>>, %arg14: memref<1x4096xf32, #tpu.memory_space<vmem>>, %arg15: memref<1x4096xf32, #tpu.memory_space<vmem>>, %arg16: memref<4096x512xf32, #tpu.memory_space<vmem>>, %arg17: memref<1x512xf32, #tpu.memory_space<vmem>>, %arg18: memref<1x512xf32, #tpu.memory_space<vmem>>, %arg19: memref<1x512xf32, #tpu.memory_space<vmem>>, %arg20: memref<512x128xf32, #tpu.memory_space<vmem>>, %arg21: memref<1x128xf32, #tpu.memory_space<vmem>>, %arg22: memref<1x128xf32, #tpu.memory_space<vmem>>, %arg23: memref<1x128xf32, #tpu.memory_space<vmem>>, %arg24: memref<128x32xf32, #tpu.memory_space<vmem>>, %arg25: memref<1x32xf32, #tpu.memory_space<vmem>>, %arg26: memref<1x32xf32, #tpu.memory_space<vmem>>, %arg27: memref<1x32xf32, #tpu.memory_space<vmem>>, %arg28: memref<32x1xf32, #tpu.memory_space<vmem>>, %arg29: memref<1x1xf32, #tpu.memory_space<vmem>>, %arg30: memref<64x1xf32, #tpu.memory_space<vmem>>, %arg31: memref<64x22869xf32, #tpu.memory_space<vmem>>, %arg32: memref<64x4096xf32, #tpu.memory_space<vmem>>) attributes {dimension_semantics = [#tpu.dimension_semantics<arbitrary>], iteration_bounds = array<i64: 32>, scalar_prefetch = 0 : i64, scratch_operands = 2 : i64, tpu.core_type = #tpu.core_type<tc>, window_params = [{pipeline_mode = #tpu.pipeline_mode<synchronous>, transform_indices = @transform_0, window_bounds = array<i64: 64, 128>}, {pipeline_mode = #tpu.pipeline_mode<synchronous>, transform_indices = @transform_1, window_bounds = array<i64: 64, 200>}, {pipeline_mode = #tpu.pipeline_mode<synchronous>, transform_indices = @transform_2, window_bounds = array<i64: 64, 300>}, {pipeline_mode = #tpu.pipeline_mode<synchronous>, transform_indices = @transform_3, window_bounds = array<i64: 128, 32>}, {pipeline_mode = #tpu.pipeline_mode<synchronous>, transform_indices = @transform_4, window_bounds = array<i64: 1, 32>}, {pipeline_mode = #tpu.pipeline_mode<synchronous>, transform_indices = @transform_5, window_bounds = array<i64: 200, 32>}, {pipeline_mode = #tpu.pipeline_mode<synchronous>, transform_indices = @transform_6, window_bounds = array<i64: 1, 32>}, {pipeline_mode = #tpu.pipeline_mode<synchronous>, transform_indices = @transform_7, window_bounds = array<i64: 300, 32>}, {pipeline_mode = #tpu.pipeline_mode<synchronous>, transform_indices = @transform_8, window_bounds = array<i64: 1, 32>}, {pipeline_mode = #tpu.pipeline_mode<synchronous>, transform_indices = @transform_9, window_bounds = array<i64: 32, 32>}, {pipeline_mode = #tpu.pipeline_mode<synchronous>, transform_indices = @transform_10, window_bounds = array<i64: 32, 32>}, {transform_indices = @transform_11, window_bounds = array<i64: 22869, 128>}, {pipeline_mode = #tpu.pipeline_mode<synchronous>, transform_indices = @transform_12, window_bounds = array<i64: 1, 4096>}, {pipeline_mode = #tpu.pipeline_mode<synchronous>, transform_indices = @transform_13, window_bounds = array<i64: 1, 4096>}, {pipeline_mode = #tpu.pipeline_mode<synchronous>, transform_indices = @transform_14, window_bounds = array<i64: 1, 4096>}, {pipeline_mode = #tpu.pipeline_mode<synchronous>, transform_indices = @transform_15, window_bounds = array<i64: 4096, 512>}, {pipeline_mode = #tpu.pipeline_mode<synchronous>, transform_indices = @transform_16, window_bounds = array<i64: 1, 512>}, {pipeline_mode = #tpu.pipeline_mode<synchronous>, transform_indices = @transform_17, window_bounds = array<i64: 1, 512>}, {pipeline_mode = #tpu.pipeline_mode<synchronous>, transform_indices = @transform_18, window_bounds = array<i64: 1, 512>}, {pipeline_mode = #tpu.pipeline_mode<synchronous>, transform_indices = @transform_19, window_bounds = array<i64: 512, 128>}, {pipeline_mode = #tpu.pipeline_mode<synchronous>, transform_indices = @transform_20, window_bounds = array<i64: 1, 128>}, {pipeline_mode = #tpu.pipeline_mode<synchronous>, transform_indices = @transform_21, window_bounds = array<i64: 1, 128>}, {pipeline_mode = #tpu.pipeline_mode<synchronous>, transform_indices = @transform_22, window_bounds = array<i64: 1, 128>}, {pipeline_mode = #tpu.pipeline_mode<synchronous>, transform_indices = @transform_23, window_bounds = array<i64: 128, 32>}, {pipeline_mode = #tpu.pipeline_mode<synchronous>, transform_indices = @transform_24, window_bounds = array<i64: 1, 32>}, {pipeline_mode = #tpu.pipeline_mode<synchronous>, transform_indices = @transform_25, window_bounds = array<i64: 1, 32>}, {pipeline_mode = #tpu.pipeline_mode<synchronous>, transform_indices = @transform_26, window_bounds = array<i64: 1, 32>}, {pipeline_mode = #tpu.pipeline_mode<synchronous>, transform_indices = @transform_27, window_bounds = array<i64: 32, 1>}, {pipeline_mode = #tpu.pipeline_mode<synchronous>, transform_indices = @transform_28, window_bounds = array<i64: 1, 1>}, {pipeline_mode = #tpu.pipeline_mode<synchronous>, transform_indices = @transform_29, window_bounds = array<i64: 64, 1>}]} {
    %eq3A = arith.constant 0 : i32
    %eq3A_0 = arith.cmpi eq, %arg0, %eq3A : i32
    %convert_element_type3A = arith.extui %eq3A_0 : i1 to i32
    %cond3A = arith.constant 0 : i32
    %cond3A_1 = arith.cmpi ne, %convert_element_type3A, %cond3A : i32
    scf.if %cond3A_1 {
      %get3A_16 = arith.constant 0 : index
      %get3A_17 = arith.constant 0 : index
      %get3A_18 = vector.load %arg1[%get3A_16, %get3A_17] : memref<64x128xf32, #tpu.memory_space<vmem>>, vector<64x128xf32>
      %iota3A = tpu.iota {dimensions = array<i32: 1>} : vector<1x128xi32>
      %eq3A_19 = arith.constant 20 : i32
      %eq3A_20 = vector.broadcast %eq3A_19 : i32 to vector<1x128xi32>
      %eq3A_21 = arith.cmpi eq, %iota3A, %eq3A_20 : vector<1x128xi32>
      %convert_element_type3A_22 = arith.extui %eq3A_21 : vector<1x128xi1> to vector<1x128xi32>
      %convert_element_type3A_23 = arith.sitofp %convert_element_type3A_22 : vector<1x128xi32> to vector<1x128xf32>
      %mul3A_24 = vector.broadcast %convert_element_type3A_23 : vector<1x128xf32> to vector<64x128xf32>
      %mul3A_25 = arith.mulf %get3A_18, %mul3A_24 : vector<64x128xf32>
      %reduce_sum3A = arith.constant dense<0.000000e+00> : vector<64xf32>
      %reduce_sum3A_26 = vector.multi_reduction <add>, %mul3A_25, %reduce_sum3A [1] : vector<64x128xf32> to vector<64xf32>
      %broadcast_in_dim3A = vector.shape_cast %reduce_sum3A_26 : vector<64xf32> to vector<64x1xf32>
      %max3A = arith.constant 1.000000e+00 : f32
      %max3A_27 = vector.broadcast %max3A : f32 to vector<64x1xf32>
      %max3A_28 = arith.maximumf %broadcast_in_dim3A, %max3A_27 : vector<64x1xf32>
      %div3A = vector.broadcast %max3A_28 : vector<64x1xf32> to vector<64x128xf32>
      %div3A_29 = arith.divf %get3A_18, %div3A : vector<64x128xf32>
      %lt3A = arith.constant 20 : i32
      %lt3A_30 = vector.broadcast %lt3A : i32 to vector<1x128xi32>
      %lt3A_31 = arith.cmpi slt, %iota3A, %lt3A_30 : vector<1x128xi32>
      %convert_element_type3A_32 = arith.extui %lt3A_31 : vector<1x128xi1> to vector<1x128xi32>
      %convert_element_type3A_33 = arith.sitofp %convert_element_type3A_32 : vector<1x128xi32> to vector<1x128xf32>
      %mul3A_34 = vector.broadcast %convert_element_type3A_33 : vector<1x128xf32> to vector<64x128xf32>
      %mul3A_35 = arith.mulf %div3A_29, %mul3A_34 : vector<64x128xf32>
      %eq3A_36 = arith.constant 20 : i32
      %eq3A_37 = vector.broadcast %eq3A_36 : i32 to vector<1x128xi32>
      %eq3A_38 = arith.cmpi eq, %iota3A, %eq3A_37 : vector<1x128xi32>
      %convert_element_type3A_39 = arith.extui %eq3A_38 : vector<1x128xi1> to vector<1x128xi32>
      %convert_element_type3A_40 = arith.sitofp %convert_element_type3A_39 : vector<1x128xi32> to vector<1x128xf32>
      %add3A = vector.broadcast %convert_element_type3A_40 : vector<1x128xf32> to vector<64x128xf32>
      %add3A_41 = arith.addf %mul3A_35, %add3A : vector<64x128xf32>
      %get3A_42 = arith.constant 0 : index
      %get3A_43 = arith.constant 0 : index
      %get3A_44 = vector.load %arg4[%get3A_42, %get3A_43] : memref<128x32xf32, #tpu.memory_space<vmem>>, vector<128x32xf32>
      %dot_general3A_45 = arith.constant dense<0.000000e+00> : vector<64x32xf32>
      %dot_general3A_46 = tpu.matmul %mul3A_35, %get3A_44, %dot_general3A_45 {dimension_numbers = #tpu.dot_dimension_numbers<[1], [0], [0], [1], [0, 0, 1, 1], [], []>, transpose_lhs_hint = false} : vector<64x128xf32>, vector<128x32xf32>, vector<64x32xf32> -> vector<64x32xf32>
      %get3A_47 = arith.constant 0 : index
      %get3A_48 = arith.constant 0 : index
      %get3A_49 = vector.load %arg5[%get3A_47, %get3A_48] : memref<1x32xf32, #tpu.memory_space<vmem>>, vector<1x32xf32>
      %add3A_50 = vector.broadcast %get3A_49 : vector<1x32xf32> to vector<64x32xf32>
      %add3A_51 = arith.addf %dot_general3A_46, %add3A_50 : vector<64x32xf32>
      %get3A_52 = arith.constant 0 : index
      %get3A_53 = arith.constant 0 : index
      %get3A_54 = vector.load %arg2[%get3A_52, %get3A_53] : memref<64x200xf32, #tpu.memory_space<vmem>>, vector<64x200xf32>
      %get3A_55 = arith.constant 0 : index
      %get3A_56 = arith.constant 0 : index
      %get3A_57 = vector.load %arg6[%get3A_55, %get3A_56] : memref<200x32xf32, #tpu.memory_space<vmem>>, vector<200x32xf32>
      %dot_general3A_58 = arith.constant dense<0.000000e+00> : vector<64x32xf32>
      %dot_general3A_59 = tpu.matmul %get3A_54, %get3A_57, %dot_general3A_58 {dimension_numbers = #tpu.dot_dimension_numbers<[1], [0], [0], [1], [0, 0, 1, 1], [], []>, transpose_lhs_hint = false} : vector<64x200xf32>, vector<200x32xf32>, vector<64x32xf32> -> vector<64x32xf32>
      %get3A_60 = arith.constant 0 : index
      %get3A_61 = arith.constant 0 : index
      %get3A_62 = vector.load %arg7[%get3A_60, %get3A_61] : memref<1x32xf32, #tpu.memory_space<vmem>>, vector<1x32xf32>
      %add3A_63 = vector.broadcast %get3A_62 : vector<1x32xf32> to vector<64x32xf32>
      %add3A_64 = arith.addf %dot_general3A_59, %add3A_63 : vector<64x32xf32>
      %get3A_65 = arith.constant 0 : index
      %get3A_66 = arith.constant 0 : index
      %get3A_67 = vector.load %arg3[%get3A_65, %get3A_66] : memref<64x300xf32, #tpu.memory_space<vmem>>, vector<64x300xf32>
      %get3A_68 = arith.constant 0 : index
      %get3A_69 = arith.constant 0 : index
      %get3A_70 = vector.load %arg8[%get3A_68, %get3A_69] : memref<300x32xf32, #tpu.memory_space<vmem>>, vector<300x32xf32>
      %dot_general3A_71 = arith.constant dense<0.000000e+00> : vector<64x32xf32>
      %dot_general3A_72 = tpu.matmul %get3A_67, %get3A_70, %dot_general3A_71 {dimension_numbers = #tpu.dot_dimension_numbers<[1], [0], [0], [1], [0, 0, 1, 1], [], []>, transpose_lhs_hint = false} : vector<64x300xf32>, vector<300x32xf32>, vector<64x32xf32> -> vector<64x32xf32>
      %get3A_73 = arith.constant 0 : index
      %get3A_74 = arith.constant 0 : index
      %get3A_75 = vector.load %arg9[%get3A_73, %get3A_74] : memref<1x32xf32, #tpu.memory_space<vmem>>, vector<1x32xf32>
      %add3A_76 = vector.broadcast %get3A_75 : vector<1x32xf32> to vector<64x32xf32>
      %add3A_77 = arith.addf %dot_general3A_72, %add3A_76 : vector<64x32xf32>
      %get3A_78 = arith.constant 0 : index
      %get3A_79 = arith.constant 0 : index
      %get3A_80 = vector.load %arg10[%get3A_78, %get3A_79] : memref<32x32xf32, #tpu.memory_space<vmem>>, vector<32x32xf32>
      %dot_general3A_81 = arith.constant dense<0.000000e+00> : vector<64x32xf32>
      %dot_general3A_82 = tpu.matmul %add3A_51, %get3A_80, %dot_general3A_81 {dimension_numbers = #tpu.dot_dimension_numbers<[1], [0], [0], [1], [0, 0, 1, 1], [], []>, transpose_lhs_hint = false} : vector<64x32xf32>, vector<32x32xf32>, vector<64x32xf32> -> vector<64x32xf32>
      %mul3A_83 = arith.mulf %dot_general3A_82, %add3A_64 : vector<64x32xf32>
      %logistic3A = arith.negf %mul3A_83 : vector<64x32xf32>
      %logistic3A_84 = math.exp %logistic3A : vector<64x32xf32>
      %logistic3A_85 = arith.constant 1.000000e+00 : f32
      %logistic3A_86 = vector.broadcast %logistic3A_85 : f32 to vector<64x32xf32>
      %logistic3A_87 = arith.addf %logistic3A_86, %logistic3A_84 : vector<64x32xf32>
      %logistic3A_88 = arith.divf %logistic3A_86, %logistic3A_87 : vector<64x32xf32>
      %get3A_89 = arith.constant 0 : index
      %get3A_90 = arith.constant 0 : index
      %get3A_91 = vector.load %arg11[%get3A_89, %get3A_90] : memref<32x32xf32, #tpu.memory_space<vmem>>, vector<32x32xf32>
      %dot_general3A_92 = arith.constant dense<0.000000e+00> : vector<64x32xf32>
      %dot_general3A_93 = tpu.matmul %add3A_51, %get3A_91, %dot_general3A_92 {dimension_numbers = #tpu.dot_dimension_numbers<[1], [0], [0], [1], [0, 0, 1, 1], [], []>, transpose_lhs_hint = false} : vector<64x32xf32>, vector<32x32xf32>, vector<64x32xf32> -> vector<64x32xf32>
      %mul3A_94 = arith.mulf %dot_general3A_93, %add3A_77 : vector<64x32xf32>
      %logistic3A_95 = arith.negf %mul3A_94 : vector<64x32xf32>
      %logistic3A_96 = math.exp %logistic3A_95 : vector<64x32xf32>
      %logistic3A_97 = arith.constant 1.000000e+00 : f32
      %logistic3A_98 = vector.broadcast %logistic3A_97 : f32 to vector<64x32xf32>
      %logistic3A_99 = arith.addf %logistic3A_98, %logistic3A_96 : vector<64x32xf32>
      %logistic3A_100 = arith.divf %logistic3A_98, %logistic3A_99 : vector<64x32xf32>
      %mul3A_101 = arith.mulf %logistic3A_88, %add3A_64 : vector<64x32xf32>
      %mul3A_102 = arith.mulf %logistic3A_100, %add3A_77 : vector<64x32xf32>
      %broadcast_in_dim3A_103 = arith.constant 1.000000e+00 : f32
      %broadcast_in_dim3A_104 = vector.broadcast %broadcast_in_dim3A_103 : f32 to vector<64x1xf32>
      %concatenate3A = tpu.concatenate %mul3A_101, %broadcast_in_dim3A_104 in 1 : vector<64x32xf32>, vector<64x1xf32> -> vector<64x33xf32>
      %concatenate3A_105 = tpu.concatenate %mul3A_102, %broadcast_in_dim3A_104 in 1 : vector<64x32xf32>, vector<64x1xf32> -> vector<64x33xf32>
      %iota3A_106 = tpu.iota {dimensions = array<i32: 1>} : vector<33x1089xi32>
      %iota3A_107 = tpu.iota {dimensions = array<i32: 0>} : vector<33x1089xi32>
      %jit3A = arith.constant 33 : i32
      %div3A_108 = vector.broadcast %jit3A : i32 to vector<33x1089xi32>
      %div3A_109 = arith.divsi %iota3A_106, %div3A_108 : vector<33x1089xi32>
      %sign3A = arith.constant 0 : i32
      %sign3A_110 = vector.broadcast %sign3A : i32 to vector<33x1089xi32>
      %sign3A_111 = arith.cmpi sgt, %iota3A_106, %sign3A_110 : vector<33x1089xi32>
      %sign3A_112 = arith.extui %sign3A_111 : vector<33x1089xi1> to vector<33x1089xi32>
      %sign3A_113 = arith.constant 0 : i32
      %sign3A_114 = vector.broadcast %sign3A_113 : i32 to vector<33x1089xi32>
      %sign3A_115 = arith.cmpi slt, %iota3A_106, %sign3A_114 : vector<33x1089xi32>
      %sign3A_116 = arith.extui %sign3A_115 : vector<33x1089xi1> to vector<33x1089xi32>
      %sign3A_117 = arith.subi %sign3A_112, %sign3A_116 : vector<33x1089xi32>
      %sign3A_118 = arith.constant 0 : i32
      %sign3A_119 = arith.cmpi sgt, %jit3A, %sign3A_118 : i32
      %sign3A_120 = arith.extui %sign3A_119 : i1 to i32
      %sign3A_121 = arith.constant 0 : i32
      %sign3A_122 = arith.cmpi slt, %jit3A, %sign3A_121 : i32
      %sign3A_123 = arith.extui %sign3A_122 : i1 to i32
      %sign3A_124 = arith.subi %sign3A_120, %sign3A_123 : i32
      %ne3A = vector.broadcast %sign3A_124 : i32 to vector<33x1089xi32>
      %ne3A_125 = arith.cmpi ne, %sign3A_117, %ne3A : vector<33x1089xi32>
      %rem3A = vector.broadcast %jit3A : i32 to vector<33x1089xi32>
      %rem3A_126 = arith.remsi %iota3A_106, %rem3A : vector<33x1089xi32>
      %ne3A_127 = arith.constant 0 : i32
      %ne3A_128 = vector.broadcast %ne3A_127 : i32 to vector<33x1089xi32>
      %ne3A_129 = arith.cmpi ne, %rem3A_126, %ne3A_128 : vector<33x1089xi32>
      %and3A = arith.andi %ne3A_125, %ne3A_129 : vector<33x1089xi1>
      %sub3A = arith.constant 1 : i32
      %sub3A_130 = vector.broadcast %sub3A : i32 to vector<33x1089xi32>
      %sub3A_131 = arith.subi %div3A_109, %sub3A_130 : vector<33x1089xi32>
      %select_n3A = arith.select %and3A, %sub3A_131, %div3A_109 : vector<33x1089xi1>, vector<33x1089xi32>
      %eq3A_132 = arith.cmpi eq, %iota3A_107, %select_n3A : vector<33x1089xi32>
      %convert_element_type3A_133 = arith.extui %eq3A_132 : vector<33x1089xi1> to vector<33x1089xi32>
      %convert_element_type3A_134 = arith.sitofp %convert_element_type3A_133 : vector<33x1089xi32> to vector<33x1089xf32>
      %jit3A_135 = arith.constant 33 : i32
      %eq3A_136 = arith.constant 0 : i32
      %eq3A_137 = arith.cmpi eq, %jit3A_135, %eq3A_136 : i32
      %jit3A_138 = arith.constant 1 : i32
      %select_n3A_139 = arith.select %eq3A_137, %jit3A_138, %jit3A_135 : i32
      %rem3A_140 = vector.broadcast %select_n3A_139 : i32 to vector<33x1089xi32>
      %rem3A_141 = arith.remsi %iota3A_106, %rem3A_140 : vector<33x1089xi32>
      %ne3A_142 = arith.constant 0 : i32
      %ne3A_143 = vector.broadcast %ne3A_142 : i32 to vector<33x1089xi32>
      %ne3A_144 = arith.cmpi ne, %rem3A_141, %ne3A_143 : vector<33x1089xi32>
      %lt3A_145 = arith.constant 0 : i32
      %lt3A_146 = vector.broadcast %lt3A_145 : i32 to vector<33x1089xi32>
      %lt3A_147 = arith.cmpi slt, %rem3A_141, %lt3A_146 : vector<33x1089xi32>
      %lt3A_148 = arith.constant 0 : i32
      %lt3A_149 = arith.cmpi slt, %select_n3A_139, %lt3A_148 : i32
      %ne3A_150 = vector.broadcast %lt3A_149 : i1 to vector<33x1089xi1>
      %ne3A_151 = vector.broadcast %ne3A_150 : vector<33x1089xi1> to vector<33x1089xi1>
      %ne3A_152 = arith.xori %lt3A_147, %ne3A_151 : vector<33x1089xi1>
      %and3A_153 = arith.andi %ne3A_152, %ne3A_144 : vector<33x1089xi1>
      %add3A_154 = vector.broadcast %select_n3A_139 : i32 to vector<33x1089xi32>
      %add3A_155 = arith.addi %rem3A_141, %add3A_154 : vector<33x1089xi32>
      %select_n3A_156 = arith.select %and3A_153, %add3A_155, %rem3A_141 : vector<33x1089xi1>, vector<33x1089xi32>
      %eq3A_157 = arith.cmpi eq, %iota3A_107, %select_n3A_156 : vector<33x1089xi32>
      %convert_element_type3A_158 = arith.extui %eq3A_157 : vector<33x1089xi1> to vector<33x1089xi32>
      %convert_element_type3A_159 = arith.sitofp %convert_element_type3A_158 : vector<33x1089xi32> to vector<33x1089xf32>
      %dot_general3A_160 = arith.constant dense<0.000000e+00> : vector<64x1089xf32>
      %dot_general3A_161 = tpu.matmul %concatenate3A, %convert_element_type3A_134, %dot_general3A_160 {dimension_numbers = #tpu.dot_dimension_numbers<[1], [0], [0], [1], [0, 0, 1, 1], [], []>, precision = #tpu.contract_precision<fp32>, transpose_lhs_hint = false} : vector<64x33xf32>, vector<33x1089xf32>, vector<64x1089xf32> -> vector<64x1089xf32>
      %dot_general3A_162 = arith.constant dense<0.000000e+00> : vector<64x1089xf32>
      %dot_general3A_163 = tpu.matmul %concatenate3A_105, %convert_element_type3A_159, %dot_general3A_162 {dimension_numbers = #tpu.dot_dimension_numbers<[1], [0], [0], [1], [0, 0, 1, 1], [], []>, precision = #tpu.contract_precision<fp32>, transpose_lhs_hint = false} : vector<64x33xf32>, vector<33x1089xf32>, vector<64x1089xf32> -> vector<64x1089xf32>
      %mul3A_164 = arith.mulf %dot_general3A_161, %dot_general3A_163 : vector<64x1089xf32>
      %eq3A_165 = arith.constant 0 : i32
      %eq3A_166 = vector.broadcast %eq3A_165 : i32 to vector<1x128xi32>
      %eq3A_167 = arith.cmpi eq, %iota3A, %eq3A_166 : vector<1x128xi32>
      %convert_element_type3A_168 = arith.extui %eq3A_167 : vector<1x128xi1> to vector<1x128xi32>
      %convert_element_type3A_169 = arith.sitofp %convert_element_type3A_168 : vector<1x128xi32> to vector<1x128xf32>
      %mul3A_170 = vector.broadcast %convert_element_type3A_169 : vector<1x128xf32> to vector<64x128xf32>
      %mul3A_171 = arith.mulf %add3A_41, %mul3A_170 : vector<64x128xf32>
      %reduce_sum3A_172 = arith.constant dense<0.000000e+00> : vector<64xf32>
      %reduce_sum3A_173 = vector.multi_reduction <add>, %mul3A_171, %reduce_sum3A_172 [1] : vector<64x128xf32> to vector<64xf32>
      %broadcast_in_dim3A_174 = vector.shape_cast %reduce_sum3A_173 : vector<64xf32> to vector<64x1xf32>
      %mul3A_175 = vector.broadcast %broadcast_in_dim3A_174 : vector<64x1xf32> to vector<64x1089xf32>
      %mul3A_176 = arith.mulf %mul3A_175, %mul3A_164 : vector<64x1089xf32>
      %eq3A_177 = arith.constant 1 : i32
      %eq3A_178 = vector.broadcast %eq3A_177 : i32 to vector<1x128xi32>
      %eq3A_179 = arith.cmpi eq, %iota3A, %eq3A_178 : vector<1x128xi32>
      %convert_element_type3A_180 = arith.extui %eq3A_179 : vector<1x128xi1> to vector<1x128xi32>
      %convert_element_type3A_181 = arith.sitofp %convert_element_type3A_180 : vector<1x128xi32> to vector<1x128xf32>
      %mul3A_182 = vector.broadcast %convert_element_type3A_181 : vector<1x128xf32> to vector<64x128xf32>
      %mul3A_183 = arith.mulf %add3A_41, %mul3A_182 : vector<64x128xf32>
      %reduce_sum3A_184 = arith.constant dense<0.000000e+00> : vector<64xf32>
      %reduce_sum3A_185 = vector.multi_reduction <add>, %mul3A_183, %reduce_sum3A_184 [1] : vector<64x128xf32> to vector<64xf32>
      %broadcast_in_dim3A_186 = vector.shape_cast %reduce_sum3A_185 : vector<64xf32> to vector<64x1xf32>
      %mul3A_187 = vector.broadcast %broadcast_in_dim3A_186 : vector<64x1xf32> to vector<64x1089xf32>
      %mul3A_188 = arith.mulf %mul3A_187, %mul3A_164 : vector<64x1089xf32>
      %eq3A_189 = arith.constant 2 : i32
      %eq3A_190 = vector.broadcast %eq3A_189 : i32 to vector<1x128xi32>
      %eq3A_191 = arith.cmpi eq, %iota3A, %eq3A_190 : vector<1x128xi32>
      %convert_element_type3A_192 = arith.extui %eq3A_191 : vector<1x128xi1> to vector<1x128xi32>
      %convert_element_type3A_193 = arith.sitofp %convert_element_type3A_192 : vector<1x128xi32> to vector<1x128xf32>
      %mul3A_194 = vector.broadcast %convert_element_type3A_193 : vector<1x128xf32> to vector<64x128xf32>
      %mul3A_195 = arith.mulf %add3A_41, %mul3A_194 : vector<64x128xf32>
      %reduce_sum3A_196 = arith.constant dense<0.000000e+00> : vector<64xf32>
      %reduce_sum3A_197 = vector.multi_reduction <add>, %mul3A_195, %reduce_sum3A_196 [1] : vector<64x128xf32> to vector<64xf32>
      %broadcast_in_dim3A_198 = vector.shape_cast %reduce_sum3A_197 : vector<64xf32> to vector<64x1xf32>
      %mul3A_199 = vector.broadcast %broadcast_in_dim3A_198 : vector<64x1xf32> to vector<64x1089xf32>
      %mul3A_200 = arith.mulf %mul3A_199, %mul3A_164 : vector<64x1089xf32>
      %eq3A_201 = arith.constant 3 : i32
      %eq3A_202 = vector.broadcast %eq3A_201 : i32 to vector<1x128xi32>
      %eq3A_203 = arith.cmpi eq, %iota3A, %eq3A_202 : vector<1x128xi32>
      %convert_element_type3A_204 = arith.extui %eq3A_203 : vector<1x128xi1> to vector<1x128xi32>
      %convert_element_type3A_205 = arith.sitofp %convert_element_type3A_204 : vector<1x128xi32> to vector<1x128xf32>
      %mul3A_206 = vector.broadcast %convert_element_type3A_205 : vector<1x128xf32> to vector<64x128xf32>
      %mul3A_207 = arith.mulf %add3A_41, %mul3A_206 : vector<64x128xf32>
      %reduce_sum3A_208 = arith.constant dense<0.000000e+00> : vector<64xf32>
      %reduce_sum3A_209 = vector.multi_reduction <add>, %mul3A_207, %reduce_sum3A_208 [1] : vector<64x128xf32> to vector<64xf32>
      %broadcast_in_dim3A_210 = vector.shape_cast %reduce_sum3A_209 : vector<64xf32> to vector<64x1xf32>
      %mul3A_211 = vector.broadcast %broadcast_in_dim3A_210 : vector<64x1xf32> to vector<64x1089xf32>
      %mul3A_212 = arith.mulf %mul3A_211, %mul3A_164 : vector<64x1089xf32>
      %eq3A_213 = arith.constant 4 : i32
      %eq3A_214 = vector.broadcast %eq3A_213 : i32 to vector<1x128xi32>
      %eq3A_215 = arith.cmpi eq, %iota3A, %eq3A_214 : vector<1x128xi32>
      %convert_element_type3A_216 = arith.extui %eq3A_215 : vector<1x128xi1> to vector<1x128xi32>
      %convert_element_type3A_217 = arith.sitofp %convert_element_type3A_216 : vector<1x128xi32> to vector<1x128xf32>
      %mul3A_218 = vector.broadcast %convert_element_type3A_217 : vector<1x128xf32> to vector<64x128xf32>
      %mul3A_219 = arith.mulf %add3A_41, %mul3A_218 : vector<64x128xf32>
      %reduce_sum3A_220 = arith.constant dense<0.000000e+00> : vector<64xf32>
      %reduce_sum3A_221 = vector.multi_reduction <add>, %mul3A_219, %reduce_sum3A_220 [1] : vector<64x128xf32> to vector<64xf32>
      %broadcast_in_dim3A_222 = vector.shape_cast %reduce_sum3A_221 : vector<64xf32> to vector<64x1xf32>
      %mul3A_223 = vector.broadcast %broadcast_in_dim3A_222 : vector<64x1xf32> to vector<64x1089xf32>
      %mul3A_224 = arith.mulf %mul3A_223, %mul3A_164 : vector<64x1089xf32>
      %eq3A_225 = arith.constant 5 : i32
      %eq3A_226 = vector.broadcast %eq3A_225 : i32 to vector<1x128xi32>
      %eq3A_227 = arith.cmpi eq, %iota3A, %eq3A_226 : vector<1x128xi32>
      %convert_element_type3A_228 = arith.extui %eq3A_227 : vector<1x128xi1> to vector<1x128xi32>
      %convert_element_type3A_229 = arith.sitofp %convert_element_type3A_228 : vector<1x128xi32> to vector<1x128xf32>
      %mul3A_230 = vector.broadcast %convert_element_type3A_229 : vector<1x128xf32> to vector<64x128xf32>
      %mul3A_231 = arith.mulf %add3A_41, %mul3A_230 : vector<64x128xf32>
      %reduce_sum3A_232 = arith.constant dense<0.000000e+00> : vector<64xf32>
      %reduce_sum3A_233 = vector.multi_reduction <add>, %mul3A_231, %reduce_sum3A_232 [1] : vector<64x128xf32> to vector<64xf32>
      %broadcast_in_dim3A_234 = vector.shape_cast %reduce_sum3A_233 : vector<64xf32> to vector<64x1xf32>
      %mul3A_235 = vector.broadcast %broadcast_in_dim3A_234 : vector<64x1xf32> to vector<64x1089xf32>
      %mul3A_236 = arith.mulf %mul3A_235, %mul3A_164 : vector<64x1089xf32>
      %eq3A_237 = arith.constant 6 : i32
      %eq3A_238 = vector.broadcast %eq3A_237 : i32 to vector<1x128xi32>
      %eq3A_239 = arith.cmpi eq, %iota3A, %eq3A_238 : vector<1x128xi32>
      %convert_element_type3A_240 = arith.extui %eq3A_239 : vector<1x128xi1> to vector<1x128xi32>
      %convert_element_type3A_241 = arith.sitofp %convert_element_type3A_240 : vector<1x128xi32> to vector<1x128xf32>
      %mul3A_242 = vector.broadcast %convert_element_type3A_241 : vector<1x128xf32> to vector<64x128xf32>
      %mul3A_243 = arith.mulf %add3A_41, %mul3A_242 : vector<64x128xf32>
      %reduce_sum3A_244 = arith.constant dense<0.000000e+00> : vector<64xf32>
      %reduce_sum3A_245 = vector.multi_reduction <add>, %mul3A_243, %reduce_sum3A_244 [1] : vector<64x128xf32> to vector<64xf32>
      %broadcast_in_dim3A_246 = vector.shape_cast %reduce_sum3A_245 : vector<64xf32> to vector<64x1xf32>
      %mul3A_247 = vector.broadcast %broadcast_in_dim3A_246 : vector<64x1xf32> to vector<64x1089xf32>
      %mul3A_248 = arith.mulf %mul3A_247, %mul3A_164 : vector<64x1089xf32>
      %eq3A_249 = arith.constant 7 : i32
      %eq3A_250 = vector.broadcast %eq3A_249 : i32 to vector<1x128xi32>
      %eq3A_251 = arith.cmpi eq, %iota3A, %eq3A_250 : vector<1x128xi32>
      %convert_element_type3A_252 = arith.extui %eq3A_251 : vector<1x128xi1> to vector<1x128xi32>
      %convert_element_type3A_253 = arith.sitofp %convert_element_type3A_252 : vector<1x128xi32> to vector<1x128xf32>
      %mul3A_254 = vector.broadcast %convert_element_type3A_253 : vector<1x128xf32> to vector<64x128xf32>
      %mul3A_255 = arith.mulf %add3A_41, %mul3A_254 : vector<64x128xf32>
      %reduce_sum3A_256 = arith.constant dense<0.000000e+00> : vector<64xf32>
      %reduce_sum3A_257 = vector.multi_reduction <add>, %mul3A_255, %reduce_sum3A_256 [1] : vector<64x128xf32> to vector<64xf32>
      %broadcast_in_dim3A_258 = vector.shape_cast %reduce_sum3A_257 : vector<64xf32> to vector<64x1xf32>
      %mul3A_259 = vector.broadcast %broadcast_in_dim3A_258 : vector<64x1xf32> to vector<64x1089xf32>
      %mul3A_260 = arith.mulf %mul3A_259, %mul3A_164 : vector<64x1089xf32>
      %eq3A_261 = arith.constant 8 : i32
      %eq3A_262 = vector.broadcast %eq3A_261 : i32 to vector<1x128xi32>
      %eq3A_263 = arith.cmpi eq, %iota3A, %eq3A_262 : vector<1x128xi32>
      %convert_element_type3A_264 = arith.extui %eq3A_263 : vector<1x128xi1> to vector<1x128xi32>
      %convert_element_type3A_265 = arith.sitofp %convert_element_type3A_264 : vector<1x128xi32> to vector<1x128xf32>
      %mul3A_266 = vector.broadcast %convert_element_type3A_265 : vector<1x128xf32> to vector<64x128xf32>
      %mul3A_267 = arith.mulf %add3A_41, %mul3A_266 : vector<64x128xf32>
      %reduce_sum3A_268 = arith.constant dense<0.000000e+00> : vector<64xf32>
      %reduce_sum3A_269 = vector.multi_reduction <add>, %mul3A_267, %reduce_sum3A_268 [1] : vector<64x128xf32> to vector<64xf32>
      %broadcast_in_dim3A_270 = vector.shape_cast %reduce_sum3A_269 : vector<64xf32> to vector<64x1xf32>
      %mul3A_271 = vector.broadcast %broadcast_in_dim3A_270 : vector<64x1xf32> to vector<64x1089xf32>
      %mul3A_272 = arith.mulf %mul3A_271, %mul3A_164 : vector<64x1089xf32>
      %eq3A_273 = arith.constant 9 : i32
      %eq3A_274 = vector.broadcast %eq3A_273 : i32 to vector<1x128xi32>
      %eq3A_275 = arith.cmpi eq, %iota3A, %eq3A_274 : vector<1x128xi32>
      %convert_element_type3A_276 = arith.extui %eq3A_275 : vector<1x128xi1> to vector<1x128xi32>
      %convert_element_type3A_277 = arith.sitofp %convert_element_type3A_276 : vector<1x128xi32> to vector<1x128xf32>
      %mul3A_278 = vector.broadcast %convert_element_type3A_277 : vector<1x128xf32> to vector<64x128xf32>
      %mul3A_279 = arith.mulf %add3A_41, %mul3A_278 : vector<64x128xf32>
      %reduce_sum3A_280 = arith.constant dense<0.000000e+00> : vector<64xf32>
      %reduce_sum3A_281 = vector.multi_reduction <add>, %mul3A_279, %reduce_sum3A_280 [1] : vector<64x128xf32> to vector<64xf32>
      %broadcast_in_dim3A_282 = vector.shape_cast %reduce_sum3A_281 : vector<64xf32> to vector<64x1xf32>
      %mul3A_283 = vector.broadcast %broadcast_in_dim3A_282 : vector<64x1xf32> to vector<64x1089xf32>
      %mul3A_284 = arith.mulf %mul3A_283, %mul3A_164 : vector<64x1089xf32>
      %eq3A_285 = arith.constant 10 : i32
      %eq3A_286 = vector.broadcast %eq3A_285 : i32 to vector<1x128xi32>
      %eq3A_287 = arith.cmpi eq, %iota3A, %eq3A_286 : vector<1x128xi32>
      %convert_element_type3A_288 = arith.extui %eq3A_287 : vector<1x128xi1> to vector<1x128xi32>
      %convert_element_type3A_289 = arith.sitofp %convert_element_type3A_288 : vector<1x128xi32> to vector<1x128xf32>
      %mul3A_290 = vector.broadcast %convert_element_type3A_289 : vector<1x128xf32> to vector<64x128xf32>
      %mul3A_291 = arith.mulf %add3A_41, %mul3A_290 : vector<64x128xf32>
      %reduce_sum3A_292 = arith.constant dense<0.000000e+00> : vector<64xf32>
      %reduce_sum3A_293 = vector.multi_reduction <add>, %mul3A_291, %reduce_sum3A_292 [1] : vector<64x128xf32> to vector<64xf32>
      %broadcast_in_dim3A_294 = vector.shape_cast %reduce_sum3A_293 : vector<64xf32> to vector<64x1xf32>
      %mul3A_295 = vector.broadcast %broadcast_in_dim3A_294 : vector<64x1xf32> to vector<64x1089xf32>
      %mul3A_296 = arith.mulf %mul3A_295, %mul3A_164 : vector<64x1089xf32>
      %eq3A_297 = arith.constant 11 : i32
      %eq3A_298 = vector.broadcast %eq3A_297 : i32 to vector<1x128xi32>
      %eq3A_299 = arith.cmpi eq, %iota3A, %eq3A_298 : vector<1x128xi32>
      %convert_element_type3A_300 = arith.extui %eq3A_299 : vector<1x128xi1> to vector<1x128xi32>
      %convert_element_type3A_301 = arith.sitofp %convert_element_type3A_300 : vector<1x128xi32> to vector<1x128xf32>
      %mul3A_302 = vector.broadcast %convert_element_type3A_301 : vector<1x128xf32> to vector<64x128xf32>
      %mul3A_303 = arith.mulf %add3A_41, %mul3A_302 : vector<64x128xf32>
      %reduce_sum3A_304 = arith.constant dense<0.000000e+00> : vector<64xf32>
      %reduce_sum3A_305 = vector.multi_reduction <add>, %mul3A_303, %reduce_sum3A_304 [1] : vector<64x128xf32> to vector<64xf32>
      %broadcast_in_dim3A_306 = vector.shape_cast %reduce_sum3A_305 : vector<64xf32> to vector<64x1xf32>
      %mul3A_307 = vector.broadcast %broadcast_in_dim3A_306 : vector<64x1xf32> to vector<64x1089xf32>
      %mul3A_308 = arith.mulf %mul3A_307, %mul3A_164 : vector<64x1089xf32>
      %eq3A_309 = arith.constant 12 : i32
      %eq3A_310 = vector.broadcast %eq3A_309 : i32 to vector<1x128xi32>
      %eq3A_311 = arith.cmpi eq, %iota3A, %eq3A_310 : vector<1x128xi32>
      %convert_element_type3A_312 = arith.extui %eq3A_311 : vector<1x128xi1> to vector<1x128xi32>
      %convert_element_type3A_313 = arith.sitofp %convert_element_type3A_312 : vector<1x128xi32> to vector<1x128xf32>
      %mul3A_314 = vector.broadcast %convert_element_type3A_313 : vector<1x128xf32> to vector<64x128xf32>
      %mul3A_315 = arith.mulf %add3A_41, %mul3A_314 : vector<64x128xf32>
      %reduce_sum3A_316 = arith.constant dense<0.000000e+00> : vector<64xf32>
      %reduce_sum3A_317 = vector.multi_reduction <add>, %mul3A_315, %reduce_sum3A_316 [1] : vector<64x128xf32> to vector<64xf32>
      %broadcast_in_dim3A_318 = vector.shape_cast %reduce_sum3A_317 : vector<64xf32> to vector<64x1xf32>
      %mul3A_319 = vector.broadcast %broadcast_in_dim3A_318 : vector<64x1xf32> to vector<64x1089xf32>
      %mul3A_320 = arith.mulf %mul3A_319, %mul3A_164 : vector<64x1089xf32>
      %eq3A_321 = arith.constant 13 : i32
      %eq3A_322 = vector.broadcast %eq3A_321 : i32 to vector<1x128xi32>
      %eq3A_323 = arith.cmpi eq, %iota3A, %eq3A_322 : vector<1x128xi32>
      %convert_element_type3A_324 = arith.extui %eq3A_323 : vector<1x128xi1> to vector<1x128xi32>
      %convert_element_type3A_325 = arith.sitofp %convert_element_type3A_324 : vector<1x128xi32> to vector<1x128xf32>
      %mul3A_326 = vector.broadcast %convert_element_type3A_325 : vector<1x128xf32> to vector<64x128xf32>
      %mul3A_327 = arith.mulf %add3A_41, %mul3A_326 : vector<64x128xf32>
      %reduce_sum3A_328 = arith.constant dense<0.000000e+00> : vector<64xf32>
      %reduce_sum3A_329 = vector.multi_reduction <add>, %mul3A_327, %reduce_sum3A_328 [1] : vector<64x128xf32> to vector<64xf32>
      %broadcast_in_dim3A_330 = vector.shape_cast %reduce_sum3A_329 : vector<64xf32> to vector<64x1xf32>
      %mul3A_331 = vector.broadcast %broadcast_in_dim3A_330 : vector<64x1xf32> to vector<64x1089xf32>
      %mul3A_332 = arith.mulf %mul3A_331, %mul3A_164 : vector<64x1089xf32>
      %eq3A_333 = arith.constant 14 : i32
      %eq3A_334 = vector.broadcast %eq3A_333 : i32 to vector<1x128xi32>
      %eq3A_335 = arith.cmpi eq, %iota3A, %eq3A_334 : vector<1x128xi32>
      %convert_element_type3A_336 = arith.extui %eq3A_335 : vector<1x128xi1> to vector<1x128xi32>
      %convert_element_type3A_337 = arith.sitofp %convert_element_type3A_336 : vector<1x128xi32> to vector<1x128xf32>
      %mul3A_338 = vector.broadcast %convert_element_type3A_337 : vector<1x128xf32> to vector<64x128xf32>
      %mul3A_339 = arith.mulf %add3A_41, %mul3A_338 : vector<64x128xf32>
      %reduce_sum3A_340 = arith.constant dense<0.000000e+00> : vector<64xf32>
      %reduce_sum3A_341 = vector.multi_reduction <add>, %mul3A_339, %reduce_sum3A_340 [1] : vector<64x128xf32> to vector<64xf32>
      %broadcast_in_dim3A_342 = vector.shape_cast %reduce_sum3A_341 : vector<64xf32> to vector<64x1xf32>
      %mul3A_343 = vector.broadcast %broadcast_in_dim3A_342 : vector<64x1xf32> to vector<64x1089xf32>
      %mul3A_344 = arith.mulf %mul3A_343, %mul3A_164 : vector<64x1089xf32>
      %eq3A_345 = arith.constant 15 : i32
      %eq3A_346 = vector.broadcast %eq3A_345 : i32 to vector<1x128xi32>
      %eq3A_347 = arith.cmpi eq, %iota3A, %eq3A_346 : vector<1x128xi32>
      %convert_element_type3A_348 = arith.extui %eq3A_347 : vector<1x128xi1> to vector<1x128xi32>
      %convert_element_type3A_349 = arith.sitofp %convert_element_type3A_348 : vector<1x128xi32> to vector<1x128xf32>
      %mul3A_350 = vector.broadcast %convert_element_type3A_349 : vector<1x128xf32> to vector<64x128xf32>
      %mul3A_351 = arith.mulf %add3A_41, %mul3A_350 : vector<64x128xf32>
      %reduce_sum3A_352 = arith.constant dense<0.000000e+00> : vector<64xf32>
      %reduce_sum3A_353 = vector.multi_reduction <add>, %mul3A_351, %reduce_sum3A_352 [1] : vector<64x128xf32> to vector<64xf32>
      %broadcast_in_dim3A_354 = vector.shape_cast %reduce_sum3A_353 : vector<64xf32> to vector<64x1xf32>
      %mul3A_355 = vector.broadcast %broadcast_in_dim3A_354 : vector<64x1xf32> to vector<64x1089xf32>
      %mul3A_356 = arith.mulf %mul3A_355, %mul3A_164 : vector<64x1089xf32>
      %eq3A_357 = arith.constant 16 : i32
      %eq3A_358 = vector.broadcast %eq3A_357 : i32 to vector<1x128xi32>
      %eq3A_359 = arith.cmpi eq, %iota3A, %eq3A_358 : vector<1x128xi32>
      %convert_element_type3A_360 = arith.extui %eq3A_359 : vector<1x128xi1> to vector<1x128xi32>
      %convert_element_type3A_361 = arith.sitofp %convert_element_type3A_360 : vector<1x128xi32> to vector<1x128xf32>
      %mul3A_362 = vector.broadcast %convert_element_type3A_361 : vector<1x128xf32> to vector<64x128xf32>
      %mul3A_363 = arith.mulf %add3A_41, %mul3A_362 : vector<64x128xf32>
      %reduce_sum3A_364 = arith.constant dense<0.000000e+00> : vector<64xf32>
      %reduce_sum3A_365 = vector.multi_reduction <add>, %mul3A_363, %reduce_sum3A_364 [1] : vector<64x128xf32> to vector<64xf32>
      %broadcast_in_dim3A_366 = vector.shape_cast %reduce_sum3A_365 : vector<64xf32> to vector<64x1xf32>
      %mul3A_367 = vector.broadcast %broadcast_in_dim3A_366 : vector<64x1xf32> to vector<64x1089xf32>
      %mul3A_368 = arith.mulf %mul3A_367, %mul3A_164 : vector<64x1089xf32>
      %eq3A_369 = arith.constant 17 : i32
      %eq3A_370 = vector.broadcast %eq3A_369 : i32 to vector<1x128xi32>
      %eq3A_371 = arith.cmpi eq, %iota3A, %eq3A_370 : vector<1x128xi32>
      %convert_element_type3A_372 = arith.extui %eq3A_371 : vector<1x128xi1> to vector<1x128xi32>
      %convert_element_type3A_373 = arith.sitofp %convert_element_type3A_372 : vector<1x128xi32> to vector<1x128xf32>
      %mul3A_374 = vector.broadcast %convert_element_type3A_373 : vector<1x128xf32> to vector<64x128xf32>
      %mul3A_375 = arith.mulf %add3A_41, %mul3A_374 : vector<64x128xf32>
      %reduce_sum3A_376 = arith.constant dense<0.000000e+00> : vector<64xf32>
      %reduce_sum3A_377 = vector.multi_reduction <add>, %mul3A_375, %reduce_sum3A_376 [1] : vector<64x128xf32> to vector<64xf32>
      %broadcast_in_dim3A_378 = vector.shape_cast %reduce_sum3A_377 : vector<64xf32> to vector<64x1xf32>
      %mul3A_379 = vector.broadcast %broadcast_in_dim3A_378 : vector<64x1xf32> to vector<64x1089xf32>
      %mul3A_380 = arith.mulf %mul3A_379, %mul3A_164 : vector<64x1089xf32>
      %eq3A_381 = arith.constant 18 : i32
      %eq3A_382 = vector.broadcast %eq3A_381 : i32 to vector<1x128xi32>
      %eq3A_383 = arith.cmpi eq, %iota3A, %eq3A_382 : vector<1x128xi32>
      %convert_element_type3A_384 = arith.extui %eq3A_383 : vector<1x128xi1> to vector<1x128xi32>
      %convert_element_type3A_385 = arith.sitofp %convert_element_type3A_384 : vector<1x128xi32> to vector<1x128xf32>
      %mul3A_386 = vector.broadcast %convert_element_type3A_385 : vector<1x128xf32> to vector<64x128xf32>
      %mul3A_387 = arith.mulf %add3A_41, %mul3A_386 : vector<64x128xf32>
      %reduce_sum3A_388 = arith.constant dense<0.000000e+00> : vector<64xf32>
      %reduce_sum3A_389 = vector.multi_reduction <add>, %mul3A_387, %reduce_sum3A_388 [1] : vector<64x128xf32> to vector<64xf32>
      %broadcast_in_dim3A_390 = vector.shape_cast %reduce_sum3A_389 : vector<64xf32> to vector<64x1xf32>
      %mul3A_391 = vector.broadcast %broadcast_in_dim3A_390 : vector<64x1xf32> to vector<64x1089xf32>
      %mul3A_392 = arith.mulf %mul3A_391, %mul3A_164 : vector<64x1089xf32>
      %eq3A_393 = arith.constant 19 : i32
      %eq3A_394 = vector.broadcast %eq3A_393 : i32 to vector<1x128xi32>
      %eq3A_395 = arith.cmpi eq, %iota3A, %eq3A_394 : vector<1x128xi32>
      %convert_element_type3A_396 = arith.extui %eq3A_395 : vector<1x128xi1> to vector<1x128xi32>
      %convert_element_type3A_397 = arith.sitofp %convert_element_type3A_396 : vector<1x128xi32> to vector<1x128xf32>
      %mul3A_398 = vector.broadcast %convert_element_type3A_397 : vector<1x128xf32> to vector<64x128xf32>
      %mul3A_399 = arith.mulf %add3A_41, %mul3A_398 : vector<64x128xf32>
      %reduce_sum3A_400 = arith.constant dense<0.000000e+00> : vector<64xf32>
      %reduce_sum3A_401 = vector.multi_reduction <add>, %mul3A_399, %reduce_sum3A_400 [1] : vector<64x128xf32> to vector<64xf32>
      %broadcast_in_dim3A_402 = vector.shape_cast %reduce_sum3A_401 : vector<64xf32> to vector<64x1xf32>
      %mul3A_403 = vector.broadcast %broadcast_in_dim3A_402 : vector<64x1xf32> to vector<64x1089xf32>
      %mul3A_404 = arith.mulf %mul3A_403, %mul3A_164 : vector<64x1089xf32>
      %eq3A_405 = arith.constant 20 : i32
      %eq3A_406 = vector.broadcast %eq3A_405 : i32 to vector<1x128xi32>
      %eq3A_407 = arith.cmpi eq, %iota3A, %eq3A_406 : vector<1x128xi32>
      %convert_element_type3A_408 = arith.extui %eq3A_407 : vector<1x128xi1> to vector<1x128xi32>
      %convert_element_type3A_409 = arith.sitofp %convert_element_type3A_408 : vector<1x128xi32> to vector<1x128xf32>
      %mul3A_410 = vector.broadcast %convert_element_type3A_409 : vector<1x128xf32> to vector<64x128xf32>
      %mul3A_411 = arith.mulf %add3A_41, %mul3A_410 : vector<64x128xf32>
      %reduce_sum3A_412 = arith.constant dense<0.000000e+00> : vector<64xf32>
      %reduce_sum3A_413 = vector.multi_reduction <add>, %mul3A_411, %reduce_sum3A_412 [1] : vector<64x128xf32> to vector<64xf32>
      %broadcast_in_dim3A_414 = vector.shape_cast %reduce_sum3A_413 : vector<64xf32> to vector<64x1xf32>
      %mul3A_415 = vector.broadcast %broadcast_in_dim3A_414 : vector<64x1xf32> to vector<64x1089xf32>
      %mul3A_416 = arith.mulf %mul3A_415, %mul3A_164 : vector<64x1089xf32>
      %concatenate3A_417 = tpu.concatenate %mul3A_176, %mul3A_188, %mul3A_200, %mul3A_212, %mul3A_224, %mul3A_236, %mul3A_248, %mul3A_260, %mul3A_272, %mul3A_284, %mul3A_296, %mul3A_308, %mul3A_320, %mul3A_332, %mul3A_344, %mul3A_356, %mul3A_368, %mul3A_380, %mul3A_392, %mul3A_404, %mul3A_416 in 1 : vector<64x1089xf32>, vector<64x1089xf32>, vector<64x1089xf32>, vector<64x1089xf32>, vector<64x1089xf32>, vector<64x1089xf32>, vector<64x1089xf32>, vector<64x1089xf32>, vector<64x1089xf32>, vector<64x1089xf32>, vector<64x1089xf32>, vector<64x1089xf32>, vector<64x1089xf32>, vector<64x1089xf32>, vector<64x1089xf32>, vector<64x1089xf32>, vector<64x1089xf32>, vector<64x1089xf32>, vector<64x1089xf32>, vector<64x1089xf32>, vector<64x1089xf32> -> vector<64x22869xf32>
      %swap3A_418 = arith.constant 0 : index
      %swap3A_419 = arith.constant 0 : index
      %swap3A_420 = vector.load %arg31[%swap3A_418, %swap3A_419] : memref<64x22869xf32, #tpu.memory_space<vmem>>, vector<64x22869xf32>
      tpu.vector_store %arg31[%swap3A_418, %swap3A_419], %concatenate3A_417 {strides = array<i32>} : memref<64x22869xf32, #tpu.memory_space<vmem>>, vector<64x22869xf32>,
    } else {
    }
    %get3A = arith.constant 0 : index
    %get3A_2 = arith.constant 0 : index
    %get3A_3 = vector.load %arg31[%get3A, %get3A_2] : memref<64x22869xf32, #tpu.memory_space<vmem>>, vector<64x22869xf32>
    %get3A_4 = arith.constant 0 : index
    %get3A_5 = arith.constant 0 : index
    %get3A_6 = vector.load %arg12[%get3A_4, %get3A_5] : memref<22869x128xf32, #tpu.memory_space<vmem>>, vector<22869x128xf32>
    %dot_general3A = arith.constant dense<0.000000e+00> : vector<64x128xf32>
    %dot_general3A_7 = tpu.matmul %get3A_3, %get3A_6, %dot_general3A {dimension_numbers = #tpu.dot_dimension_numbers<[1], [0], [0], [1], [0, 0, 1, 1], [], []>, transpose_lhs_hint = false} : vector<64x22869xf32>, vector<22869x128xf32>, vector<64x128xf32> -> vector<64x128xf32>
    %mul3A = arith.constant 128 : i32
    %mul3A_8 = arith.muli %arg0, %mul3A : i32
    %swap3A = arith.constant 0 : index
    %swap3A_9 = arith.index_cast %mul3A_8 : i32 to index
    %swap3A_10 = vector.load %arg32[%swap3A, %swap3A_9] : memref<64x4096xf32, #tpu.memory_space<vmem>>, vector<64x128xf32>
    tpu.vector_store %arg32[%swap3A, %swap3A_9], %dot_general3A_7 {strides = array<i32>} : memref<64x4096xf32, #tpu.memory_space<vmem>>, vector<64x128xf32>,
    %eq3A_11 = arith.constant 31 : i32
    %eq3A_12 = arith.cmpi eq, %arg0, %eq3A_11 : i32
    %convert_element_type3A_13 = arith.extui %eq3A_12 : i1 to i32
    %cond3A_14 = arith.constant 0 : i32
    %cond3A_15 = arith.cmpi ne, %convert_element_type3A_13, %cond3A_14 : i32
    scf.if %cond3A_15 {
      %get3A_16 = arith.constant 0 : index
      %get3A_17 = arith.constant 0 : index
      %get3A_18 = vector.load %arg32[%get3A_16, %get3A_17] : memref<64x4096xf32, #tpu.memory_space<vmem>>, vector<64x4096xf32>
      %get3A_19 = arith.constant 0 : index
      %get3A_20 = arith.constant 0 : index
      %get3A_21 = vector.load %arg13[%get3A_19, %get3A_20] : memref<1x4096xf32, #tpu.memory_space<vmem>>, vector<1x4096xf32>
      %add3A = vector.broadcast %get3A_21 : vector<1x4096xf32> to vector<64x4096xf32>
      %add3A_22 = arith.addf %get3A_18, %add3A : vector<64x4096xf32>
      %get3A_23 = arith.constant 0 : index
      %get3A_24 = arith.constant 0 : index
      %get3A_25 = vector.load %arg14[%get3A_23, %get3A_24] : memref<1x4096xf32, #tpu.memory_space<vmem>>, vector<1x4096xf32>
      %get3A_26 = arith.constant 0 : index
      %get3A_27 = arith.constant 0 : index
      %get3A_28 = vector.load %arg15[%get3A_26, %get3A_27] : memref<1x4096xf32, #tpu.memory_space<vmem>>, vector<1x4096xf32>
      %reduce_sum3A = arith.constant dense<0.000000e+00> : vector<4096xf32>
      %reduce_sum3A_29 = vector.multi_reduction <add>, %add3A_22, %reduce_sum3A [0] : vector<64x4096xf32> to vector<4096xf32>
      %broadcast_in_dim3A = vector.shape_cast %reduce_sum3A_29 : vector<4096xf32> to vector<1x4096xf32>
      %div3A = arith.constant 6.400000e+01 : f32
      %div3A_30 = vector.broadcast %div3A : f32 to vector<1x4096xf32>
      %div3A_31 = arith.divf %broadcast_in_dim3A, %div3A_30 : vector<1x4096xf32>
      %sub3A = vector.broadcast %div3A_31 : vector<1x4096xf32> to vector<64x4096xf32>
      %sub3A_32 = arith.subf %add3A_22, %sub3A : vector<64x4096xf32>
      %mul3A_33 = arith.mulf %sub3A_32, %sub3A_32 : vector<64x4096xf32>
      %reduce_sum3A_34 = arith.constant dense<0.000000e+00> : vector<4096xf32>
      %reduce_sum3A_35 = vector.multi_reduction <add>, %mul3A_33, %reduce_sum3A_34 [0] : vector<64x4096xf32> to vector<4096xf32>
      %broadcast_in_dim3A_36 = vector.shape_cast %reduce_sum3A_35 : vector<4096xf32> to vector<1x4096xf32>
      %div3A_37 = arith.constant 6.400000e+01 : f32
      %div3A_38 = vector.broadcast %div3A_37 : f32 to vector<1x4096xf32>
      %div3A_39 = arith.divf %broadcast_in_dim3A_36, %div3A_38 : vector<1x4096xf32>
      %mul3A_40 = vector.broadcast %get3A_25 : vector<1x4096xf32> to vector<64x4096xf32>
      %mul3A_41 = arith.mulf %mul3A_40, %sub3A_32 : vector<64x4096xf32>
      %add3A_42 = arith.constant 9.99999974E-6 : f32
      %add3A_43 = vector.broadcast %add3A_42 : f32 to vector<1x4096xf32>
      %add3A_44 = arith.addf %div3A_39, %add3A_43 : vector<1x4096xf32>
      %rsqrt3A = math.rsqrt %add3A_44 : vector<1x4096xf32>
      %mul3A_45 = vector.broadcast %rsqrt3A : vector<1x4096xf32> to vector<64x4096xf32>
      %mul3A_46 = arith.mulf %mul3A_41, %mul3A_45 : vector<64x4096xf32>
      %add3A_47 = vector.broadcast %get3A_28 : vector<1x4096xf32> to vector<64x4096xf32>
      %add3A_48 = arith.addf %mul3A_46, %add3A_47 : vector<64x4096xf32>
      %max3A = arith.constant 0.000000e+00 : f32
      %max3A_49 = vector.broadcast %max3A : f32 to vector<64x4096xf32>
      %max3A_50 = arith.maximumf %add3A_48, %max3A_49 : vector<64x4096xf32>
      %get3A_51 = arith.constant 0 : index
      %get3A_52 = arith.constant 0 : index
      %get3A_53 = vector.load %arg16[%get3A_51, %get3A_52] : memref<4096x512xf32, #tpu.memory_space<vmem>>, vector<4096x512xf32>
      %dot_general3A_54 = arith.constant dense<0.000000e+00> : vector<64x512xf32>
      %dot_general3A_55 = tpu.matmul %max3A_50, %get3A_53, %dot_general3A_54 {dimension_numbers = #tpu.dot_dimension_numbers<[1], [0], [0], [1], [0, 0, 1, 1], [], []>, transpose_lhs_hint = false} : vector<64x4096xf32>, vector<4096x512xf32>, vector<64x512xf32> -> vector<64x512xf32>
      %get3A_56 = arith.constant 0 : index
      %get3A_57 = arith.constant 0 : index
      %get3A_58 = vector.load %arg17[%get3A_56, %get3A_57] : memref<1x512xf32, #tpu.memory_space<vmem>>, vector<1x512xf32>
      %add3A_59 = vector.broadcast %get3A_58 : vector<1x512xf32> to vector<64x512xf32>
      %add3A_60 = arith.addf %dot_general3A_55, %add3A_59 : vector<64x512xf32>
      %get3A_61 = arith.constant 0 : index
      %get3A_62 = arith.constant 0 : index
      %get3A_63 = vector.load %arg18[%get3A_61, %get3A_62] : memref<1x512xf32, #tpu.memory_space<vmem>>, vector<1x512xf32>
      %get3A_64 = arith.constant 0 : index
      %get3A_65 = arith.constant 0 : index
      %get3A_66 = vector.load %arg19[%get3A_64, %get3A_65] : memref<1x512xf32, #tpu.memory_space<vmem>>, vector<1x512xf32>
      %reduce_sum3A_67 = arith.constant dense<0.000000e+00> : vector<512xf32>
      %reduce_sum3A_68 = vector.multi_reduction <add>, %add3A_60, %reduce_sum3A_67 [0] : vector<64x512xf32> to vector<512xf32>
      %broadcast_in_dim3A_69 = vector.shape_cast %reduce_sum3A_68 : vector<512xf32> to vector<1x512xf32>
      %div3A_70 = arith.constant 6.400000e+01 : f32
      %div3A_71 = vector.broadcast %div3A_70 : f32 to vector<1x512xf32>
      %div3A_72 = arith.divf %broadcast_in_dim3A_69, %div3A_71 : vector<1x512xf32>
      %sub3A_73 = vector.broadcast %div3A_72 : vector<1x512xf32> to vector<64x512xf32>
      %sub3A_74 = arith.subf %add3A_60, %sub3A_73 : vector<64x512xf32>
      %mul3A_75 = arith.mulf %sub3A_74, %sub3A_74 : vector<64x512xf32>
      %reduce_sum3A_76 = arith.constant dense<0.000000e+00> : vector<512xf32>
      %reduce_sum3A_77 = vector.multi_reduction <add>, %mul3A_75, %reduce_sum3A_76 [0] : vector<64x512xf32> to vector<512xf32>
      %broadcast_in_dim3A_78 = vector.shape_cast %reduce_sum3A_77 : vector<512xf32> to vector<1x512xf32>
      %div3A_79 = arith.constant 6.400000e+01 : f32
      %div3A_80 = vector.broadcast %div3A_79 : f32 to vector<1x512xf32>
      %div3A_81 = arith.divf %broadcast_in_dim3A_78, %div3A_80 : vector<1x512xf32>
      %mul3A_82 = vector.broadcast %get3A_63 : vector<1x512xf32> to vector<64x512xf32>
      %mul3A_83 = arith.mulf %mul3A_82, %sub3A_74 : vector<64x512xf32>
      %add3A_84 = arith.constant 9.99999974E-6 : f32
      %add3A_85 = vector.broadcast %add3A_84 : f32 to vector<1x512xf32>
      %add3A_86 = arith.addf %div3A_81, %add3A_85 : vector<1x512xf32>
      %rsqrt3A_87 = math.rsqrt %add3A_86 : vector<1x512xf32>
      %mul3A_88 = vector.broadcast %rsqrt3A_87 : vector<1x512xf32> to vector<64x512xf32>
      %mul3A_89 = arith.mulf %mul3A_83, %mul3A_88 : vector<64x512xf32>
      %add3A_90 = vector.broadcast %get3A_66 : vector<1x512xf32> to vector<64x512xf32>
      %add3A_91 = arith.addf %mul3A_89, %add3A_90 : vector<64x512xf32>
      %max3A_92 = arith.constant 0.000000e+00 : f32
      %max3A_93 = vector.broadcast %max3A_92 : f32 to vector<64x512xf32>
      %max3A_94 = arith.maximumf %add3A_91, %max3A_93 : vector<64x512xf32>
      %get3A_95 = arith.constant 0 : index
      %get3A_96 = arith.constant 0 : index
      %get3A_97 = vector.load %arg20[%get3A_95, %get3A_96] : memref<512x128xf32, #tpu.memory_space<vmem>>, vector<512x128xf32>
      %dot_general3A_98 = arith.constant dense<0.000000e+00> : vector<64x128xf32>
      %dot_general3A_99 = tpu.matmul %max3A_94, %get3A_97, %dot_general3A_98 {dimension_numbers = #tpu.dot_dimension_numbers<[1], [0], [0], [1], [0, 0, 1, 1], [], []>, transpose_lhs_hint = false} : vector<64x512xf32>, vector<512x128xf32>, vector<64x128xf32> -> vector<64x128xf32>
      %get3A_100 = arith.constant 0 : index
      %get3A_101 = arith.constant 0 : index
      %get3A_102 = vector.load %arg21[%get3A_100, %get3A_101] : memref<1x128xf32, #tpu.memory_space<vmem>>, vector<1x128xf32>
      %add3A_103 = vector.broadcast %get3A_102 : vector<1x128xf32> to vector<64x128xf32>
      %add3A_104 = arith.addf %dot_general3A_99, %add3A_103 : vector<64x128xf32>
      %get3A_105 = arith.constant 0 : index
      %get3A_106 = arith.constant 0 : index
      %get3A_107 = vector.load %arg22[%get3A_105, %get3A_106] : memref<1x128xf32, #tpu.memory_space<vmem>>, vector<1x128xf32>
      %get3A_108 = arith.constant 0 : index
      %get3A_109 = arith.constant 0 : index
      %get3A_110 = vector.load %arg23[%get3A_108, %get3A_109] : memref<1x128xf32, #tpu.memory_space<vmem>>, vector<1x128xf32>
      %reduce_sum3A_111 = arith.constant dense<0.000000e+00> : vector<128xf32>
      %reduce_sum3A_112 = vector.multi_reduction <add>, %add3A_104, %reduce_sum3A_111 [0] : vector<64x128xf32> to vector<128xf32>
      %broadcast_in_dim3A_113 = vector.shape_cast %reduce_sum3A_112 : vector<128xf32> to vector<1x128xf32>
      %div3A_114 = arith.constant 6.400000e+01 : f32
      %div3A_115 = vector.broadcast %div3A_114 : f32 to vector<1x128xf32>
      %div3A_116 = arith.divf %broadcast_in_dim3A_113, %div3A_115 : vector<1x128xf32>
      %sub3A_117 = vector.broadcast %div3A_116 : vector<1x128xf32> to vector<64x128xf32>
      %sub3A_118 = arith.subf %add3A_104, %sub3A_117 : vector<64x128xf32>
      %mul3A_119 = arith.mulf %sub3A_118, %sub3A_118 : vector<64x128xf32>
      %reduce_sum3A_120 = arith.constant dense<0.000000e+00> : vector<128xf32>
      %reduce_sum3A_121 = vector.multi_reduction <add>, %mul3A_119, %reduce_sum3A_120 [0] : vector<64x128xf32> to vector<128xf32>
      %broadcast_in_dim3A_122 = vector.shape_cast %reduce_sum3A_121 : vector<128xf32> to vector<1x128xf32>
      %div3A_123 = arith.constant 6.400000e+01 : f32
      %div3A_124 = vector.broadcast %div3A_123 : f32 to vector<1x128xf32>
      %div3A_125 = arith.divf %broadcast_in_dim3A_122, %div3A_124 : vector<1x128xf32>
      %mul3A_126 = vector.broadcast %get3A_107 : vector<1x128xf32> to vector<64x128xf32>
      %mul3A_127 = arith.mulf %mul3A_126, %sub3A_118 : vector<64x128xf32>
      %add3A_128 = arith.constant 9.99999974E-6 : f32
      %add3A_129 = vector.broadcast %add3A_128 : f32 to vector<1x128xf32>
      %add3A_130 = arith.addf %div3A_125, %add3A_129 : vector<1x128xf32>
      %rsqrt3A_131 = math.rsqrt %add3A_130 : vector<1x128xf32>
      %mul3A_132 = vector.broadcast %rsqrt3A_131 : vector<1x128xf32> to vector<64x128xf32>
      %mul3A_133 = arith.mulf %mul3A_127, %mul3A_132 : vector<64x128xf32>
      %add3A_134 = vector.broadcast %get3A_110 : vector<1x128xf32> to vector<64x128xf32>
      %add3A_135 = arith.addf %mul3A_133, %add3A_134 : vector<64x128xf32>
      %max3A_136 = arith.constant 0.000000e+00 : f32
      %max3A_137 = vector.broadcast %max3A_136 : f32 to vector<64x128xf32>
      %max3A_138 = arith.maximumf %add3A_135, %max3A_137 : vector<64x128xf32>
      %get3A_139 = arith.constant 0 : index
      %get3A_140 = arith.constant 0 : index
      %get3A_141 = vector.load %arg24[%get3A_139, %get3A_140] : memref<128x32xf32, #tpu.memory_space<vmem>>, vector<128x32xf32>
      %dot_general3A_142 = arith.constant dense<0.000000e+00> : vector<64x32xf32>
      %dot_general3A_143 = tpu.matmul %max3A_138, %get3A_141, %dot_general3A_142 {dimension_numbers = #tpu.dot_dimension_numbers<[1], [0], [0], [1], [0, 0, 1, 1], [], []>, transpose_lhs_hint = false} : vector<64x128xf32>, vector<128x32xf32>, vector<64x32xf32> -> vector<64x32xf32>
      %get3A_144 = arith.constant 0 : index
      %get3A_145 = arith.constant 0 : index
      %get3A_146 = vector.load %arg25[%get3A_144, %get3A_145] : memref<1x32xf32, #tpu.memory_space<vmem>>, vector<1x32xf32>
      %add3A_147 = vector.broadcast %get3A_146 : vector<1x32xf32> to vector<64x32xf32>
      %add3A_148 = arith.addf %dot_general3A_143, %add3A_147 : vector<64x32xf32>
      %get3A_149 = arith.constant 0 : index
      %get3A_150 = arith.constant 0 : index
      %get3A_151 = vector.load %arg26[%get3A_149, %get3A_150] : memref<1x32xf32, #tpu.memory_space<vmem>>, vector<1x32xf32>
      %get3A_152 = arith.constant 0 : index
      %get3A_153 = arith.constant 0 : index
      %get3A_154 = vector.load %arg27[%get3A_152, %get3A_153] : memref<1x32xf32, #tpu.memory_space<vmem>>, vector<1x32xf32>
      %reduce_sum3A_155 = arith.constant dense<0.000000e+00> : vector<32xf32>
      %reduce_sum3A_156 = vector.multi_reduction <add>, %add3A_148, %reduce_sum3A_155 [0] : vector<64x32xf32> to vector<32xf32>
      %broadcast_in_dim3A_157 = vector.shape_cast %reduce_sum3A_156 : vector<32xf32> to vector<1x32xf32>
      %div3A_158 = arith.constant 6.400000e+01 : f32
      %div3A_159 = vector.broadcast %div3A_158 : f32 to vector<1x32xf32>
      %div3A_160 = arith.divf %broadcast_in_dim3A_157, %div3A_159 : vector<1x32xf32>
      %sub3A_161 = vector.broadcast %div3A_160 : vector<1x32xf32> to vector<64x32xf32>
      %sub3A_162 = arith.subf %add3A_148, %sub3A_161 : vector<64x32xf32>
      %mul3A_163 = arith.mulf %sub3A_162, %sub3A_162 : vector<64x32xf32>
      %reduce_sum3A_164 = arith.constant dense<0.000000e+00> : vector<32xf32>
      %reduce_sum3A_165 = vector.multi_reduction <add>, %mul3A_163, %reduce_sum3A_164 [0] : vector<64x32xf32> to vector<32xf32>
      %broadcast_in_dim3A_166 = vector.shape_cast %reduce_sum3A_165 : vector<32xf32> to vector<1x32xf32>
      %div3A_167 = arith.constant 6.400000e+01 : f32
      %div3A_168 = vector.broadcast %div3A_167 : f32 to vector<1x32xf32>
      %div3A_169 = arith.divf %broadcast_in_dim3A_166, %div3A_168 : vector<1x32xf32>
      %mul3A_170 = vector.broadcast %get3A_151 : vector<1x32xf32> to vector<64x32xf32>
      %mul3A_171 = arith.mulf %mul3A_170, %sub3A_162 : vector<64x32xf32>
      %add3A_172 = arith.constant 9.99999974E-6 : f32
      %add3A_173 = vector.broadcast %add3A_172 : f32 to vector<1x32xf32>
      %add3A_174 = arith.addf %div3A_169, %add3A_173 : vector<1x32xf32>
      %rsqrt3A_175 = math.rsqrt %add3A_174 : vector<1x32xf32>
      %mul3A_176 = vector.broadcast %rsqrt3A_175 : vector<1x32xf32> to vector<64x32xf32>
      %mul3A_177 = arith.mulf %mul3A_171, %mul3A_176 : vector<64x32xf32>
      %add3A_178 = vector.broadcast %get3A_154 : vector<1x32xf32> to vector<64x32xf32>
      %add3A_179 = arith.addf %mul3A_177, %add3A_178 : vector<64x32xf32>
      %max3A_180 = arith.constant 0.000000e+00 : f32
      %max3A_181 = vector.broadcast %max3A_180 : f32 to vector<64x32xf32>
      %max3A_182 = arith.maximumf %add3A_179, %max3A_181 : vector<64x32xf32>
      %get3A_183 = arith.constant 0 : index
      %get3A_184 = arith.constant 0 : index
      %get3A_185 = vector.load %arg28[%get3A_183, %get3A_184] : memref<32x1xf32, #tpu.memory_space<vmem>>, vector<32x1xf32>
      %dot_general3A_186 = arith.constant dense<0.000000e+00> : vector<64x1xf32>
      %dot_general3A_187 = tpu.matmul %max3A_182, %get3A_185, %dot_general3A_186 {dimension_numbers = #tpu.dot_dimension_numbers<[1], [0], [0], [1], [0, 0, 1, 1], [], []>, transpose_lhs_hint = false} : vector<64x32xf32>, vector<32x1xf32>, vector<64x1xf32> -> vector<64x1xf32>
      %get3A_188 = arith.constant 0 : index
      %get3A_189 = arith.constant 0 : index
      %get3A_190 = vector.load %arg29[%get3A_188, %get3A_189] : memref<1x1xf32, #tpu.memory_space<vmem>>, vector<1x1xf32>
      %add3A_191 = vector.broadcast %get3A_190 : vector<1x1xf32> to vector<64x1xf32>
      %add3A_192 = arith.addf %dot_general3A_187, %add3A_191 : vector<64x1xf32>
      %swap3A_193 = arith.constant 0 : index
      %swap3A_194 = arith.constant 0 : index
      %swap3A_195 = vector.load %arg30[%swap3A_193, %swap3A_194] : memref<64x1xf32, #tpu.memory_space<vmem>>, vector<64x1xf32>
      tpu.vector_store %arg30[%swap3A_193, %swap3A_194], %add3A_192 {strides = array<i32>} : memref<64x1xf32, #tpu.memory_space<vmem>>, vector<64x1xf32>,
    } else {
    }
    return
  }
  func.func @transform_0(%arg0: i32) -> (i32, i32) {
    %c0_i32 = arith.constant 0 : i32
    %c0_i32_0 = arith.constant 0 : i32
    %c0_i32_1 = arith.constant 0 : i32
    return %c0_i32, %c0_i32_0 : i32, i32
  }
  func.func @transform_1(%arg0: i32) -> (i32, i32) {
    %c0_i32 = arith.constant 0 : i32
    %c0_i32_0 = arith.constant 0 : i32
    %c0_i32_1 = arith.constant 0 : i32
    return %c0_i32, %c0_i32_0 : i32, i32
  }
  func.func @transform_2(%arg0: i32) -> (i32, i32) {
    %c0_i32 = arith.constant 0 : i32
    %c0_i32_0 = arith.constant 0 : i32
    %c0_i32_1 = arith.constant 0 : i32
    return %c0_i32, %c0_i32_0 : i32, i32
  }
  func.func @transform_3(%arg0: i32) -> (i32, i32) {
    %c0_i32 = arith.constant 0 : i32
    %c0_i32_0 = arith.constant 0 : i32
    %c0_i32_1 = arith.constant 0 : i32
    return %c0_i32, %c0_i32_0 : i32, i32
  }
  func.func @transform_4(%arg0: i32) -> (i32, i32) {
    %c0_i32 = arith.constant 0 : i32
    %c0_i32_0 = arith.constant 0 : i32
    %c0_i32_1 = arith.constant 0 : i32
    return %c0_i32, %c0_i32_0 : i32, i32
  }
  func.func @transform_5(%arg0: i32) -> (i32, i32) {
    %c0_i32 = arith.constant 0 : i32
    %c0_i32_0 = arith.constant 0 : i32
    %c0_i32_1 = arith.constant 0 : i32
    return %c0_i32, %c0_i32_0 : i32, i32
  }
  func.func @transform_6(%arg0: i32) -> (i32, i32) {
    %c0_i32 = arith.constant 0 : i32
    %c0_i32_0 = arith.constant 0 : i32
    %c0_i32_1 = arith.constant 0 : i32
    return %c0_i32, %c0_i32_0 : i32, i32
  }
  func.func @transform_7(%arg0: i32) -> (i32, i32) {
    %c0_i32 = arith.constant 0 : i32
    %c0_i32_0 = arith.constant 0 : i32
    %c0_i32_1 = arith.constant 0 : i32
    return %c0_i32, %c0_i32_0 : i32, i32
  }
  func.func @transform_8(%arg0: i32) -> (i32, i32) {
    %c0_i32 = arith.constant 0 : i32
    %c0_i32_0 = arith.constant 0 : i32
    %c0_i32_1 = arith.constant 0 : i32
    return %c0_i32, %c0_i32_0 : i32, i32
  }
  func.func @transform_9(%arg0: i32) -> (i32, i32) {
    %c0_i32 = arith.constant 0 : i32
    %c0_i32_0 = arith.constant 0 : i32
    %c0_i32_1 = arith.constant 0 : i32
    return %c0_i32, %c0_i32_0 : i32, i32
  }
  func.func @transform_10(%arg0: i32) -> (i32, i32) {
    %c0_i32 = arith.constant 0 : i32
    %c0_i32_0 = arith.constant 0 : i32
    %c0_i32_1 = arith.constant 0 : i32
    return %c0_i32, %c0_i32_0 : i32, i32
  }
  func.func @transform_11(%arg0: i32) -> (i32, i32) {
    %c0_i32 = arith.constant 0 : i32
    %c0_i32_0 = arith.constant 0 : i32
    return %c0_i32, %arg0 : i32, i32
  }
  func.func @transform_12(%arg0: i32) -> (i32, i32) {
    %c0_i32 = arith.constant 0 : i32
    %c0_i32_0 = arith.constant 0 : i32
    %c0_i32_1 = arith.constant 0 : i32
    return %c0_i32, %c0_i32_0 : i32, i32
  }
  func.func @transform_13(%arg0: i32) -> (i32, i32) {
    %c0_i32 = arith.constant 0 : i32
    %c0_i32_0 = arith.constant 0 : i32
    %c0_i32_1 = arith.constant 0 : i32
    return %c0_i32, %c0_i32_0 : i32, i32
  }
  func.func @transform_14(%arg0: i32) -> (i32, i32) {
    %c0_i32 = arith.constant 0 : i32
    %c0_i32_0 = arith.constant 0 : i32
    %c0_i32_1 = arith.constant 0 : i32
    return %c0_i32, %c0_i32_0 : i32, i32
  }
  func.func @transform_15(%arg0: i32) -> (i32, i32) {
    %c0_i32 = arith.constant 0 : i32
    %c0_i32_0 = arith.constant 0 : i32
    %c0_i32_1 = arith.constant 0 : i32
    return %c0_i32, %c0_i32_0 : i32, i32
  }
  func.func @transform_16(%arg0: i32) -> (i32, i32) {
    %c0_i32 = arith.constant 0 : i32
    %c0_i32_0 = arith.constant 0 : i32
    %c0_i32_1 = arith.constant 0 : i32
    return %c0_i32, %c0_i32_0 : i32, i32
  }
  func.func @transform_17(%arg0: i32) -> (i32, i32) {
    %c0_i32 = arith.constant 0 : i32
    %c0_i32_0 = arith.constant 0 : i32
    %c0_i32_1 = arith.constant 0 : i32
    return %c0_i32, %c0_i32_0 : i32, i32
  }
  func.func @transform_18(%arg0: i32) -> (i32, i32) {
    %c0_i32 = arith.constant 0 : i32
    %c0_i32_0 = arith.constant 0 : i32
    %c0_i32_1 = arith.constant 0 : i32
    return %c0_i32, %c0_i32_0 : i32, i32
  }
  func.func @transform_19(%arg0: i32) -> (i32, i32) {
    %c0_i32 = arith.constant 0 : i32
    %c0_i32_0 = arith.constant 0 : i32
    %c0_i32_1 = arith.constant 0 : i32
    return %c0_i32, %c0_i32_0 : i32, i32
  }
  func.func @transform_20(%arg0: i32) -> (i32, i32) {
    %c0_i32 = arith.constant 0 : i32
    %c0_i32_0 = arith.constant 0 : i32
    %c0_i32_1 = arith.constant 0 : i32
    return %c0_i32, %c0_i32_0 : i32, i32
  }
  func.func @transform_21(%arg0: i32) -> (i32, i32) {
    %c0_i32 = arith.constant 0 : i32
    %c0_i32_0 = arith.constant 0 : i32
    %c0_i32_1 = arith.constant 0 : i32
    return %c0_i32, %c0_i32_0 : i32, i32
  }
  func.func @transform_22(%arg0: i32) -> (i32, i32) {
    %c0_i32 = arith.constant 0 : i32
    %c0_i32_0 = arith.constant 0 : i32
    %c0_i32_1 = arith.constant 0 : i32
    return %c0_i32, %c0_i32_0 : i32, i32
  }
  func.func @transform_23(%arg0: i32) -> (i32, i32) {
    %c0_i32 = arith.constant 0 : i32
    %c0_i32_0 = arith.constant 0 : i32
    %c0_i32_1 = arith.constant 0 : i32
    return %c0_i32, %c0_i32_0 : i32, i32
  }
  func.func @transform_24(%arg0: i32) -> (i32, i32) {
    %c0_i32 = arith.constant 0 : i32
    %c0_i32_0 = arith.constant 0 : i32
    %c0_i32_1 = arith.constant 0 : i32
    return %c0_i32, %c0_i32_0 : i32, i32
  }
  func.func @transform_25(%arg0: i32) -> (i32, i32) {
    %c0_i32 = arith.constant 0 : i32
    %c0_i32_0 = arith.constant 0 : i32
    %c0_i32_1 = arith.constant 0 : i32
    return %c0_i32, %c0_i32_0 : i32, i32
  }
  func.func @transform_26(%arg0: i32) -> (i32, i32) {
    %c0_i32 = arith.constant 0 : i32
    %c0_i32_0 = arith.constant 0 : i32
    %c0_i32_1 = arith.constant 0 : i32
    return %c0_i32, %c0_i32_0 : i32, i32
  }
  func.func @transform_27(%arg0: i32) -> (i32, i32) {
    %c0_i32 = arith.constant 0 : i32
    %c0_i32_0 = arith.constant 0 : i32
    %c0_i32_1 = arith.constant 0 : i32
    return %c0_i32, %c0_i32_0 : i32, i32
  }
  func.func @transform_28(%arg0: i32) -> (i32, i32) {
    %c0_i32 = arith.constant 0 : i32
    %c0_i32_0 = arith.constant 0 : i32
    %c0_i32_1 = arith.constant 0 : i32
    return %c0_i32, %c0_i32_0 : i32, i32
  }
  func.func @transform_29(%arg0: i32) -> (i32, i32) {
    %c0_i32 = arith.constant 0 : i32
    %c0_i32_0 = arith.constant 0 : i32
    %c0_i32_1 = arith.constant 0 : i32
    return %c0_i32, %c0_i32_0 : i32, i32
  }
}

</mosaic_0001>

<sc_bundles>
// kernel: kernel.11.cloned.1.call-start
scs
__scs_entry_jumppad:
0x0: {  	(pc) =	sbr.rel $0x88, $3  }
0x1: {  	(tag) =	ssettag $0x0;
	lr =	simm.s32 $0x1  }
0x2: {  	[smem:$0x3F7E] =	sst lr;
	_ =	strace $0xD0000000  }
0x3: {  	_ = 	snop  }
0x4: {  	_ = 	snop  }
0x5: {  	_ = 	snop  }
0x6: {  	_ = 	snop  }
0x7: {  	_ = 	snop  }
__scs_overlays_trampoline_lowered:
0x8: {  	[smem:$0x3F8D] =	sst s0  }
0x9: {  	[smem:$0x3F8E] =	sst s1  }
0xa: {  	[smem:$0x3F8F] =	sst s2  }
0xb: {  	[smem:$0x3F90] =	sst s3  }
0xc: {  	[smem:$0x3F91] =	sst s4  }
0xd: {  	[smem:$0x3F92] =	sst s5  }
0xe: {  	[smem:$0x3F93] =	sst s6  }
0xf: {  	[smem:$0x3F94] =	sst s7  }
0x10: {  	[smem:$0x3F95] =	sst s8  }
0x11: {  	[smem:$0x3F96] =	sst s9;
	s0 =	simm.s32 @!p0 $0x0  }
0x12: {  	s1 =	sld [smem:$0x3F7C];
	s0 =	simm.s32 @p0 $0x1  }
0x13: {  	[smem:$0x3F97] =	sst s0;
	s0 =	simm.s32 @!p1 $0x0  }
0x14: {  	s2 =	sld [smem:$0x3F7B];
	s0 =	simm.s32 @p1 $0x1  }
0x15: {  	[smem:$0x3F98] =	sst s0;
	s0 =	simm.s32 @!p2 $0x0  }
0x16: {  	s3 =	sld [smem:$0x3FDB];
	s0 =	simm.s32 @p2 $0x1  }
0x17: {  	s4 =	simm.s32 $0x1BF5;
	[smem:$0x3F9A] =	sst s0  }
0x18: {  	s0 =	sld [smem:$0x3F7D];
	_ =	swait.ge [sflag:s4], $0x0  }
0x19: {  	s7 =	sld [smem:$0x3F7E]  }
0x1a: {  	s8 =	sadd.s32 $0xFFFFE003, lr  }
0x1b: {  	s9 =	sadd.s32 $0xFFFFFEF7, lr;
	s5 =	simm.s32 $0xFFFFFFFF;
	p2 =	slt.u32 s8, $0xFFFFF086  }
0x1c: {  	p1 =	slt.u32 s9, $0xF7A;
	s5 =	simm.s32 @!p2 $0x0  }
0x1d: {  	s5 =	simm.s32 @p1 $0x1;
	p0 =	seq.s32 s7, s2  }
0x1e: {  	s7 =	smul.u32 @!p0 $0xF7A, s2;
	p2 =	seq.s32 @!p0 s5, $0x0  }
0x1f: {  	s9 =	smul.u32 $0xF7A, s1;
	s8 =	simm.s32 @!p0 $0x1BF5;
	p2 =	por !p2, p0  }
0x20: {  	[sflag:s8] =	ssyncset.s32 @!p0 $0xFFFFF086;
	s6 =	sadd.s32 @!p0 s3, s7;
	s7 =	simm.s32 @!p0 $0x108  }
0x21: {  	s3 =	sadd.s32 s3, s9;
	s6 =	sadd.s32 @!p0 $0x88, s6;
	s7 =	simm.s32 @p2 $0x1082  }
0x22: {  	[simem:s7], [sflag:s8] =	dma.local @!p0 [hbm:s6], $0xF7A  }
0x23: {  	s9 =	sor.u32 $0xD0000000, s2;
	s6 =	simm.s32 $0x108;
	_ =	swait.ge @!p0 [sflag:s8], $0x0  }
0x24: {  	s3 =	sadd.s32 $0x88, s3;
	s6 =	simm.s32 @!p1 $0x1082;
	[sflag:s4] =	ssyncset.s32 $0xFFFFF086  }
0x25: {  	[simem:s6], [sflag:s4] =	dma.local [hbm:s3], $0xF7A  }
0x26: {  	[smem:$0x3F7E] =	sst s1;
	(tag) =	ssettag s2;
	_ =	strace s9  }
0x27: {  	s1 =	sld [smem:$0x3F8E]  }
0x28: {  	s2 =	sld [smem:$0x3F8F]  }
0x29: {  	s4 =	sld [smem:$0x3F91]  }
0x2a: {  	p0 =	seq.s32 s5, $0x0;
	s5 =	sld [smem:$0x3F92]  }
0x2b: {  	s6 =	sld [smem:$0x3F93]  }
0x2c: {  	s7 =	sld [smem:$0x3F94]  }
0x2d: {  	s3 =	simm.s32 $0x108;
	s8 =	sld [smem:$0x3F95]  }
0x2e: {  	s3 =	simm.s32 @!p0 $0x1082;
	s9 =	sld [smem:$0x3F96]  }
0x2f: {  	lr =	sadd.s32 s0, s3;
	s0 =	sld [smem:$0x3F8D]  }
0x30: {  	s3 =	sld [smem:$0x3F90]  }
0x31: {  	[smem:$0x3F99] =	sst s10  }
0x32: {  	s10 =	sld [smem:$0x3F97];
	_ =	sdelay $0x3  }
0x33: {  	p0 =	seq.s32 s10, $0x1;
	s10 =	sld [smem:$0x3F99];
	_ =	sdelay $0x3  }
0x34: {  	[smem:$0x3F99] =	sst s10  }
0x35: {  	s10 =	sld [smem:$0x3F98];
	_ =	sdelay $0x3  }
0x36: {  	p1 =	seq.s32 s10, $0x1;
	s10 =	sld [smem:$0x3F99];
	_ =	sdelay $0x3  }
0x37: {  	[smem:$0x3F99] =	sst s10  }
0x38: {  	s10 =	sld [smem:$0x3F9A]  }
0x39: {  	_ = 	snop;
	(pc) =	sbr.ind lr, $3  }
0x3a: {  	_ = 	snop  }
0x3b: {  	_ = 	snop  }
0x3c: {  	p2 =	seq.s32 s10, $0x1;
	s10 =	sld [smem:$0x3F99]  }
0x3d: {  	_ =	shalt  }
0x3e: {  	_ =	shalt  }
0x3f: {  	_ =	shalt  }
0x40: {  	_ =	shalt  }
0x41: {  	_ =	shalt  }
0x42: {  	_ =	shalt  }
0x43: {  	_ =	shalt  }
0x44: {  	_ =	shalt  }
0x45: {  	_ =	shalt  }
0x46: {  	_ =	shalt  }
0x47: {  	_ =	shalt  }
0x48: {  	_ =	shalt  }
0x49: {  	_ =	shalt  }
0x4a: {  	_ =	shalt  }
0x4b: {  	_ =	shalt  }
0x4c: {  	_ =	shalt  }
0x4d: {  	_ =	shalt  }
0x4e: {  	_ =	shalt  }
0x4f: {  	_ =	shalt  }
0x50: {  	_ =	shalt  }
0x51: {  	_ =	shalt  }
0x52: {  	_ =	shalt  }
0x53: {  	_ =	shalt  }
0x54: {  	_ =	shalt  }
0x55: {  	_ =	shalt  }
0x56: {  	_ =	shalt  }
0x57: {  	_ =	shalt  }
0x58: {  	_ =	shalt  }
0x59: {  	_ =	shalt  }
0x5a: {  	_ =	shalt  }
0x5b: {  	_ =	shalt  }
0x5c: {  	_ =	shalt  }
0x5d: {  	_ =	shalt  }
0x5e: {  	_ =	shalt  }
0x5f: {  	_ =	shalt  }
0x60: {  	_ =	shalt  }
0x61: {  	_ =	shalt  }
0x62: {  	_ =	shalt  }
0x63: {  	_ =	shalt  }
0x64: {  	_ =	shalt  }
0x65: {  	_ =	shalt  }
0x66: {  	_ =	shalt  }
0x67: {  	_ =	shalt  }
0x68: {  	_ =	shalt  }
0x69: {  	_ =	shalt  }
0x6a: {  	_ =	shalt  }
0x6b: {  	_ =	shalt  }
0x6c: {  	_ =	shalt  }
0x6d: {  	_ =	shalt  }
0x6e: {  	_ =	shalt  }
0x6f: {  	_ =	shalt  }
0x70: {  	_ =	shalt  }
0x71: {  	_ =	shalt  }
0x72: {  	_ =	shalt  }
0x73: {  	_ =	shalt  }
0x74: {  	_ =	shalt  }
0x75: {  	_ =	shalt  }
0x76: {  	_ =	shalt  }
0x77: {  	_ =	shalt  }
0x78: {  	_ =	shalt  }
0x79: {  	_ =	shalt  }
0x7a: {  	_ =	shalt  }
0x7b: {  	_ =	shalt  }
0x7c: {  	_ =	shalt  }
0x7d: {  	_ =	shalt  }
0x7e: {  	_ =	shalt  }
0x7f: {  	_ =	shalt  }
0x80: {  	_ =	shalt  }
0x81: {  	_ =	shalt  }
0x82: {  	_ =	shalt  }
0x83: {  	_ =	shalt  }
0x84: {  	_ =	shalt  }
0x85: {  	_ =	shalt  }
0x86: {  	_ =	shalt  }
0x87: {  	_ =	shalt  }
.Lfunc_end0:
.L_simem_size_0:
called_computation.1_lowered:
.L_overlay_start_0:
0x88: {  	s2 =	sld [smem:$0x3FD9]  }
0x89: {  	s3 =	sld [smem:$0x3FFE];
	_ =	sdelay $0x1  }
0x8a: {  	s1 =	srdreg.scid  }
0x8b: {  	s0 =	sand.u32 $0x1, s1  }
0x8c: {  	s16 =	sshll.u32 s0, $0xA;
	s2 =	sadd.s32 s3, s2  }
0x8d: {  	s2 =	sadd.s32 s2, s16  }
0x8e: {  	[smem:$0x3FA5] =	sst s2  }
0x8f: {  	_ = 	snop  }
0x90: {  	(tm) =	ssettm $0x1  }
0x91: {  	s17 =	sld [smem:$0x3FFB];
	_ =	sdelay $0x3  }
0x92: {  	_ =	strace s17  }
0x93: {  	s2 =	sld [smem:$0x3FFC];
	_ =	sdelay $0x3  }
0x94: {  	_ =	strace s2  }
0x95: {  	s2 =	sld [smem:$0x3FFD];
	_ =	sdelay $0x3  }
0x96: {  	_ =	strace s2  }
0x97: {  	_ =	strace $0x8FFFFFFF  }
0x98: {  	s18 =	sld [smem:$0x3FDB];
	_ =	sdelay $0x1  }
0x99: {  	s19 =	simm.s32 $_scs_section_size  }
0x9a: {  	s4 =	simm.s32 $_size__tile_overlayer_lowered;
	s5 =	simm.s32 $_tile_overlayer_lowered  }
0x9b: {  	s22 =	simm.s32 $0x1BFF;
	s21 =	sshll.u32 s5, $0x1;
	s2 =	sadd.s32 s19, s18  }
0x9c: {  	s6 =	simm.s32 $0x0;
	s20 =	sshll.u32 s4, $0x1;
	s4 =	sadd.s32 s21, s2  }
0x9d: {  	[timem:s6], [sflag:s22] =	dma.local [hbm:s4], s20  }
0x9e: {  	_ =	swait.ge [sflag:s22], s20  }
0x9f: {  	s3 =	ssub.s32 $0x0, s20;
	[sflag:s22] =	ssyncset.done $0x0  }
0xa0: {  	[sflag:s22] =	ssyncadd.s32 s3;
	_ =	sdelay $0x1  }
0xa1: {  	s23 =	simm.s32 $0x1B8B  }
0xa2: {  	_ =	swait.ge [sflag:s23], $0x1  }
0xa3: {  	[sflag:s23] =	ssyncset.done $0x0  }
0xa4: {  	s25 =	simm.s32 $0x1B8E;
	s24 =	sld [smem:$0x3FFE];
	[sflag:s23] =	ssyncadd.s32 $0xFFFFFFFF  }
0xa5: {  	s26 =	simm.s32 $execute0_lowered;
	[smem:$0x3FD2] =	sst s25  }
0xa6: {  	s4 =	sshll.u32 s26, $0x1;
	_ =	strace $0x80000049;
	[dreg:$0x1] =	wrdreg $0xFFFFFFFF  }
0xa7: {  	s28 =	simm.s32 $_size_execute0_lowered;
	s2 =	sadd.s32 s2, s4;
	[dreg:$0x0] =	wrdreg $0x0  }
0xa8: {  	s4 =	sshll.u32 s28, $0x1;
	[dreg:$0x2] =	wrdreg s2  }
0xa9: {  	[dreg:$0x3] =	wrdreg s4  }
0xaa: {  	[dreg:$0x4] =	wrdreg $0xC0  }
0xab: {  	_ =	task [dreg:s6], $0x5FFFF  }
0xac: {  	[dreg:$0x1] =	wrdreg $0xFFFFFFFF  }
0xad: {  	[dreg:$0x0] =	wrdreg $0x60  }
0xae: {  	[dreg:$0x2] =	wrdreg s24  }
0xaf: {  	[dreg:$0x3] =	wrdreg $0xA8000  }
0xb0: {  	[dreg:$0x4] =	wrdreg $0x9  }
0xb1: {  	_ =	task.clear_ibuf [dreg:s6], $0x5FFFF;
	_ =	strace $0x90000049  }
0xb2: {  	s29 =	simm.s32 $0x9;
	_ =	strace $0x8000004B  }
0xb3: {  	_ =	swait.ge [sflag:s29], $0x1  }
0xb4: {  	[sflag:s29] =	ssyncadd.s32 $0xFFFFFFFF  }
0xb5: {  	_ =	strace $0x9000004B  }
0xb6: {  	_ =	sfence  }
0xb7: {  	s30 =	sld [smem:$0x0];
	_ =	sdelay $0x2  }
0xb8: {  	s31 =	sshll.u32 s1, $0xD;
	s1 =	sshrl.u32 s1, $0x2  }
0xb9: {  	s3 =	sand.u32 $0x4000, s31;
	s1 =	sadd.s32 s1, s30  }
0xba: {  	s0 =	sor.u32 s3, s0;
	s1 =	sshll.u32 s1, $0x11  }
0xbb: {  	s0 =	sor.u32 s1, s0  }
0xbc: {  	s0 =	sadd.s32 $0x8F2B, s0  }
0xbd: {  	[sflag:s0] =	ssyncadd.remote.s32 $0x1  }
0xbe: {  	_ =	sfence.sel $0xFFFF  }
0xbf: {  	[dreg:$0x0] =	wrdreg $0xFFFFFFFF;
	(pc) =	sbr.abs _section_cstart, $3  }
0xc0: {  	[dreg:$0x1] =	wrdreg $0xFFFFFFFF  }
0xc1: {  	_ =	task.clear_ibuf [dreg:s6], $0x2FFFF;
	_ =	strace $0x9FFFFFFF  }
0xc2: {  	(tm) =	ssettm $0x7FFFFFFF  }
0xc3: {  	_ =	shalt  }
tec
execute0_lowered:
.L_overlay_start_1:
0x0: {  	(tag) =	ssettag $0x1  }
0x1: {  	s1 =	srdreg.scid  }
0x2: {  	s0 =	stileid.u32;
	s7 =	rddreg [dreg:$0x0]  }
0x3: {  	s2 =	rddreg [dreg:$0x1];
	s3 =	simm.s32 $0x0;
	s14 =	simm.s32 $0x80  }
0x4: {  	s15 =	simm.s32 $0x2800;
	s16 =	simm.s32 $0x6800;
	s17 =	simm.s32 $0x1  }
0x5: {  	s18 =	simm.s32 $0x2;
	s19 =	simm.s32 $0x2700;
	s20 =	simm.s32 $0x2780  }
0x6: {  	s21 =	simm.s32 $0x0;
	s6 =	sand.u32 $0x1, s1;
	s8 =	smul.u32 $0x2800, s0  }
0x7: {  	s26 =	sshll.u32 s0, $0x1;
	[smem:$0x7FF] =	sst s3;
	s28 =	smul.u32 $0x50000, s0  }
0x8: {  	s4 =	sadd.s32 $0x5600, s7;
	s1 =	sor.u32 s6, s26;
	s9 =	smul.u32 $0x28000, s6  }
0x9: {  	s31 =	sshll.u32 s0, $0x6;
	s6 =	ssub.s32 $0x2, s6;
	s5 =	smul.u32 $0x280, s1  }
0xa: {  	s1 =	rddreg [dreg:$0x2];
	_ =	strace $0x8000004A;
	s29 =	sshrl.u32 s6, $0x1  }
0xb: {  	s30 =	sshrl.u32 s28, $0x2;
	s8 =	sadd.s32 s8, s9;
	s12 =	ssub.s32 s6, s29  }
0xc: {  	s13 =	sadd.s32 s30, s2;
	s6 =	sor.u32 $0x1C03, s31;
	s10 =	sadd.s32 s5, s7  }
0xd: {  	s5 =	sadd.s32 $0x37600, s7;
	s11 =	sadd.s32 s8, s7;
	s7 =	sadd.s32 $0x32600, s10  }
0xe: {  	s8 =	sadd.s32 $0x2D600, s10;
	s9 =	sadd.s32 $0x39E00, s11;
	s10 =	smax.u32 s12, $0x1  }
0xf: {  	s11 =	sshrl.u32 s13, $0x3;
	s12 =	simm.s32 $0x3;
	s13 =	simm.s32 $0x1400  }
.LBB2_1:
0x10: {  	[spmem:s11], [sflag:s6] =	dma.local [hbm:s5], $0x2800  }
0x11: {  	_ =	swait.ge [sflag:s12], $0x2800  }
0x12: {  	[sflag:s12] =	ssyncset.done $0x0  }
0x13: {  	[sflag:s12] =	ssyncadd.s32 $0xFFFFD800  }
0x14: {  	[tilespmem:s3], [sflag:$0x3] =	stream.linear.gather [hbm4b:s7+s3], $0x1400, $0x38;
	[tilespmem:$0x1E800] =	vst v63  }
0x15: {  	_ =	swait.ge [sflag:s12], $0x1400  }
0x16: {  	[sflag:s12] =	ssyncset.done $0x0  }
0x17: {  	[sflag:s12] =	ssyncadd.s32 $0xFFFFEC00  }
0x18: {  	[tilespmem:s13], [sflag:$0x3] =	stream.linear.gather [hbm4b:s8+s3], $0x1400, $0x38;
	[tilespmem:$0x1E800] =	vst v63  }
0x19: {  	_ =	swait.ge [sflag:s12], $0x1400  }
0x1a: {  	[sflag:s12] =	ssyncset.done $0x0  }
0x1b: {  	[sflag:s12] =	ssyncadd.s32 $0xFFFFEC00  }
0x1c: {  	[bflag:$0x0] =	sbarrier.arrive $0xFFFF  }
0x1d: {  	[tilespmem:s15], [sflag:$0x1] =	stream.indirect.gather [hbm4b:s4+s14], $0x80, s3, s14, $0xb8;
	[tilespmem:$0x1E800] =	vst v63  }
0x1e: {  	_ = 	snop  }
0x1f: {  	[tilespmem:s16], [sflag:$0x2] =	stream.indirect.gather [hbm4b:s4+s14], $0x80, s14, s14, $0xb8;
	[tilespmem:$0x1E800] =	vst v63  }
0x20: {  	_ =	swait.ge [sflag:s17], $0x4000  }
0x21: {  	[sflag:s17] =	ssyncset.done $0x0  }
0x22: {  	s22 =	simm.s32 $0x1400;
	[sflag:s17] =	ssyncadd.s32 $0xFFFFC000  }
0x23: {  	[spmem:s2] =	stream.indirect.scatter.add.f32 [tilespmem:s15], [sflag:$0x3], $0x80, s22, s14, $0xb8;
	[tilespmem:$0x1E800] =	vst v63  }
0x24: {  	_ =	swait.ge [sflag:s12], $0x4000  }
0x25: {  	[sflag:s12] =	ssyncset.done $0x0  }
0x26: {  	s30 =	simm.s32 $0x100;
	[sflag:s12] =	ssyncadd.s32 $0xFFFFC000  }
0x27: {  	[tilespmem:s15], [sflag:$0x1] =	stream.indirect.gather [hbm4b:s4+s14], $0x80, s30, s14, $0xb8;
	[tilespmem:$0x1E800] =	vst v63  }
0x28: {  	_ =	swait.ge [sflag:s18], $0x4000  }
0x29: {  	[sflag:s18] =	ssyncset.done $0x0  }
0x2a: {  	s31 =	simm.s32 $0x1480;
	[sflag:s18] =	ssyncadd.s32 $0xFFFFC000  }
0x2b: {  	[spmem:s2] =	stream.indirect.scatter.add.f32 [tilespmem:s16], [sflag:$0x3], $0x80, s31, s14, $0xb8;
	[tilespmem:$0x1E800] =	vst v63  }
0x2c: {  	_ =	swait.ge [sflag:s12], $0x4000  }
0x2d: {  	[sflag:s12] =	ssyncset.done $0x0  }
0x2e: {  	s23 =	simm.s32 $0x180;
	s22 =	simm.s32 $0x400;
	[sflag:s12] =	ssyncadd.s32 $0xFFFFC000  }
.LBB2_2:
0x2f: {  	[tilespmem:s16], [sflag:$0x2] =	stream.indirect.gather [hbm4b:s4+s14], $0x80, s23, s14, $0xb8;
	[tilespmem:$0x1E800] =	vst v63  }
0x30: {  	s23 =	smov.u32 s22  }
0x31: {  	p0 =	sne.s32 s22, $0x4800;
	s22 =	sadd.s32 $0x400, s22;
	_ =	swait.ge [sflag:s17], $0x4000  }
0x32: {  	s23 =	sshra.s32 s23, $0x2;
	[sflag:s17] =	ssyncset.done $0x0  }
0x33: {  	s24 =	sadd.s32 $0x1400, s23;
	[sflag:s17] =	ssyncadd.s32 $0xFFFFC000  }
0x34: {  	[spmem:s2] =	stream.indirect.scatter.add.f32 [tilespmem:s15], [sflag:$0x3], $0x80, s24, s14, $0xb8;
	[tilespmem:$0x1E800] =	vst v63  }
0x35: {  	_ =	swait.ge [sflag:s12], $0x4000  }
0x36: {  	[sflag:s12] =	ssyncset.done $0x0  }
0x37: {  	s24 =	sadd.s32 $0x100, s23;
	[sflag:s12] =	ssyncadd.s32 $0xFFFFC000  }
0x38: {  	[tilespmem:s15], [sflag:$0x1] =	stream.indirect.gather [hbm4b:s4+s14], $0x80, s24, s14, $0xb8;
	[tilespmem:$0x1E800] =	vst v63  }
0x39: {  	_ =	swait.ge [sflag:s18], $0x4000  }
0x3a: {  	[sflag:s18] =	ssyncset.done $0x0  }
.Ltmp0:
0x3b: {  	s24 =	sadd.s32 $0x1480, s23;
	[sflag:s18] =	ssyncadd.s32 $0xFFFFC000;
	(pc) =	sbr.rel @p0 .LBB2_2-.Ltmp0, $4  }
0x3c: {  	[spmem:s2] =	stream.indirect.scatter.add.f32 [tilespmem:s16], [sflag:$0x3], $0x80, s24, s14, $0xb8;
	[tilespmem:$0x1E800] =	vst v63  }
0x3d: {  	_ =	swait.ge [sflag:s12], $0x4000  }
0x3e: {  	[sflag:s12] =	ssyncset.done $0x0  }
0x3f: {  	s23 =	sadd.s32 $0x180, s23;
	[sflag:s12] =	ssyncadd.s32 $0xFFFFC000  }
0x40: {  	[tilespmem:s16], [sflag:$0x2] =	stream.indirect.gather [hbm4b:s4+s14], $0x80, s23, s14, $0xb8;
	[tilespmem:$0x1E800] =	vst v63  }
0x41: {  	_ =	swait.ge [sflag:s17], $0x4000  }
0x42: {  	[sflag:s17] =	ssyncset.done $0x0  }
0x43: {  	[sflag:s17] =	ssyncadd.s32 $0xFFFFC000  }
0x44: {  	[spmem:s2] =	stream.indirect.scatter.add.f32 [tilespmem:s15], [sflag:$0x3], $0x80, s19, s14, $0xb8;
	[tilespmem:$0x1E800] =	vst v63  }
0x45: {  	_ =	swait.ge [sflag:s12], $0x4000  }
0x46: {  	[sflag:s12] =	ssyncset.done $0x0  }
0x47: {  	[sflag:s12] =	ssyncadd.s32 $0xFFFFC000  }
0x48: {  	_ =	swait.ge [sflag:s18], $0x4000  }
0x49: {  	[sflag:s18] =	ssyncset.done $0x0  }
0x4a: {  	[sflag:s18] =	ssyncadd.s32 $0xFFFFC000  }
0x4b: {  	[spmem:s2] =	stream.indirect.scatter.add.f32 [tilespmem:s16], [sflag:$0x3], $0x80, s20, s14, $0xb8;
	[tilespmem:$0x1E800] =	vst v63  }
0x4c: {  	_ =	swait.ge [sflag:s12], $0x4000  }
0x4d: {  	s21 =	sadd.s32 $0x1, s21;
	[sflag:s12] =	ssyncset.done $0x0  }
0x4e: {  	p0 =	sne.s32 s21, s10;
	[sflag:s12] =	ssyncadd.s32 $0xFFFFC000  }
.Ltmp1:
0x4f: {  	[bflag:$0x0] =	sbarrier.arrive $0xFFFF;
	(pc) =	sbr.rel @p0 .LBB2_1-.Ltmp1, $4  }
0x50: {  	[hbm:s9], [sflag:s6] =	dma.local [spmem:s11], $0x2800  }
0x51: {  	_ =	swait.ge [sflag:s12], $0x2800  }
0x52: {  	[sflag:s12] =	ssyncset.done $0x0  }
0x53: {  	[sflag:s12] =	ssyncadd.s32 $0xFFFFD800  }
0x54: {  	_ =	sfence.sel $0x180000  }
0x55: {  	[bflag:$0x0] =	sbarrier.arrive $0xFFFF  }
0x56: {  	p0 =	sne.s32 s0, $0x0;
	_ =	strace $0x9000004A  }
0x57: {  	s0 =	sadd.s32 @!p0 $0x100000, s1;
	[bflag:$0x2] =	sbarrier.arrive $0xFFFF  }
0x58: {  	[sflag:s0] =	ssyncadd.tile.s32 @!p0 $0x1;
	_ =	shalt  }
.Lfunc_end2:
_tile_overlayer_lowered:
.L_overlay_start_2:
0x59: {  	(tag) =	ssettag $0x2  }
0x5a: {  	s0 =	rddreg [dreg:$0x0];
	s2 =	stileid.u32  }
0x5b: {  	s1 =	rddreg [dreg:$0x1];
	p0 =	sne.s32 s2, $0x0  }
0x5c: {  	s3 =	rddreg [dreg:$0x2];
	[bflag:$0x3] =	sbarrier.arrive $0xFFFF;
	s2 =	simm.s32 @!p0 $0x1C03  }
0x5d: {  	[timem:s3], [sflag:s2] =	dma.local @!p0 [hbm:s0], s1  }
0x5e: {  	s0 =	simm.s32 @!p0 $0x3  }
0x5f: {  	_ =	swait.ge @!p0 [sflag:s0], s1  }
0x60: {  	s1 =	ssub.s32 @!p0 $0x0, s1;
	[sflag:s0] =	ssyncset.done @!p0 $0x0  }
0x61: {  	[sflag:s0] =	ssyncadd.s32 @!p0 s1  }
0x62: {  	[bflag:$0x3] =	sbarrier.arrive $0xFFFF  }
0x63: {  	_ =	shalt  }

// kernel: kernel.8.cloned.1.call-start
scs
__scs_entry_jumppad:
0x0: {  	(pc) =	sbr.rel $0x88, $3  }
0x1: {  	(tag) =	ssettag $0x0;
	lr =	simm.s32 $0x1  }
0x2: {  	[smem:$0x3F7E] =	sst lr;
	_ =	strace $0xD0000000  }
0x3: {  	_ = 	snop  }
0x4: {  	_ = 	snop  }
0x5: {  	_ = 	snop  }
0x6: {  	_ = 	snop  }
0x7: {  	_ = 	snop  }
__scs_overlays_trampoline_lowered:
0x8: {  	[smem:$0x3F8D] =	sst s0  }
0x9: {  	[smem:$0x3F8E] =	sst s1  }
0xa: {  	[smem:$0x3F8F] =	sst s2  }
0xb: {  	[smem:$0x3F90] =	sst s3  }
0xc: {  	[smem:$0x3F91] =	sst s4  }
0xd: {  	[smem:$0x3F92] =	sst s5  }
0xe: {  	[smem:$0x3F93] =	sst s6  }
0xf: {  	[smem:$0x3F94] =	sst s7  }
0x10: {  	[smem:$0x3F95] =	sst s8  }
0x11: {  	[smem:$0x3F96] =	sst s9;
	s0 =	simm.s32 @!p0 $0x0  }
0x12: {  	s1 =	sld [smem:$0x3F7C];
	s0 =	simm.s32 @p0 $0x1  }
0x13: {  	[smem:$0x3F97] =	sst s0;
	s0 =	simm.s32 @!p1 $0x0  }
0x14: {  	s2 =	sld [smem:$0x3F7B];
	s0 =	simm.s32 @p1 $0x1  }
0x15: {  	[smem:$0x3F98] =	sst s0;
	s0 =	simm.s32 @!p2 $0x0  }
0x16: {  	s3 =	sld [smem:$0x3FDB];
	s0 =	simm.s32 @p2 $0x1  }
0x17: {  	s4 =	simm.s32 $0x1BF5;
	[smem:$0x3F9A] =	sst s0  }
0x18: {  	s0 =	sld [smem:$0x3F7D];
	_ =	swait.ge [sflag:s4], $0x0  }
0x19: {  	s7 =	sld [smem:$0x3F7E]  }
0x1a: {  	s8 =	sadd.s32 $0xFFFFE003, lr  }
0x1b: {  	s9 =	sadd.s32 $0xFFFFFEF7, lr;
	s5 =	simm.s32 $0xFFFFFFFF;
	p2 =	slt.u32 s8, $0xFFFFF086  }
0x1c: {  	p1 =	slt.u32 s9, $0xF7A;
	s5 =	simm.s32 @!p2 $0x0  }
0x1d: {  	s5 =	simm.s32 @p1 $0x1;
	p0 =	seq.s32 s7, s2  }
0x1e: {  	s7 =	smul.u32 @!p0 $0xF7A, s2;
	p2 =	seq.s32 @!p0 s5, $0x0  }
0x1f: {  	s9 =	smul.u32 $0xF7A, s1;
	s8 =	simm.s32 @!p0 $0x1BF5;
	p2 =	por !p2, p0  }
0x20: {  	[sflag:s8] =	ssyncset.s32 @!p0 $0xFFFFF086;
	s6 =	sadd.s32 @!p0 s3, s7;
	s7 =	simm.s32 @!p0 $0x108  }
0x21: {  	s3 =	sadd.s32 s3, s9;
	s6 =	sadd.s32 @!p0 $0x88, s6;
	s7 =	simm.s32 @p2 $0x1082  }
0x22: {  	[simem:s7], [sflag:s8] =	dma.local @!p0 [hbm:s6], $0xF7A  }
0x23: {  	s9 =	sor.u32 $0xD0000000, s2;
	s6 =	simm.s32 $0x108;
	_ =	swait.ge @!p0 [sflag:s8], $0x0  }
0x24: {  	s3 =	sadd.s32 $0x88, s3;
	s6 =	simm.s32 @!p1 $0x1082;
	[sflag:s4] =	ssyncset.s32 $0xFFFFF086  }
0x25: {  	[simem:s6], [sflag:s4] =	dma.local [hbm:s3], $0xF7A  }
0x26: {  	[smem:$0x3F7E] =	sst s1;
	(tag) =	ssettag s2;
	_ =	strace s9  }
0x27: {  	s1 =	sld [smem:$0x3F8E]  }
0x28: {  	s2 =	sld [smem:$0x3F8F]  }
0x29: {  	s4 =	sld [smem:$0x3F91]  }
0x2a: {  	p0 =	seq.s32 s5, $0x0;
	s5 =	sld [smem:$0x3F92]  }
0x2b: {  	s6 =	sld [smem:$0x3F93]  }
0x2c: {  	s7 =	sld [smem:$0x3F94]  }
0x2d: {  	s3 =	simm.s32 $0x108;
	s8 =	sld [smem:$0x3F95]  }
0x2e: {  	s3 =	simm.s32 @!p0 $0x1082;
	s9 =	sld [smem:$0x3F96]  }
0x2f: {  	lr =	sadd.s32 s0, s3;
	s0 =	sld [smem:$0x3F8D]  }
0x30: {  	s3 =	sld [smem:$0x3F90]  }
0x31: {  	[smem:$0x3F99] =	sst s10  }
0x32: {  	s10 =	sld [smem:$0x3F97];
	_ =	sdelay $0x3  }
0x33: {  	p0 =	seq.s32 s10, $0x1;
	s10 =	sld [smem:$0x3F99];
	_ =	sdelay $0x3  }
0x34: {  	[smem:$0x3F99] =	sst s10  }
0x35: {  	s10 =	sld [smem:$0x3F98];
	_ =	sdelay $0x3  }
0x36: {  	p1 =	seq.s32 s10, $0x1;
	s10 =	sld [smem:$0x3F99];
	_ =	sdelay $0x3  }
0x37: {  	[smem:$0x3F99] =	sst s10  }
0x38: {  	s10 =	sld [smem:$0x3F9A]  }
0x39: {  	_ = 	snop;
	(pc) =	sbr.ind lr, $3  }
0x3a: {  	_ = 	snop  }
0x3b: {  	_ = 	snop  }
0x3c: {  	p2 =	seq.s32 s10, $0x1;
	s10 =	sld [smem:$0x3F99]  }
0x3d: {  	_ =	shalt  }
0x3e: {  	_ =	shalt  }
0x3f: {  	_ =	shalt  }
0x40: {  	_ =	shalt  }
0x41: {  	_ =	shalt  }
0x42: {  	_ =	shalt  }
0x43: {  	_ =	shalt  }
0x44: {  	_ =	shalt  }
0x45: {  	_ =	shalt  }
0x46: {  	_ =	shalt  }
0x47: {  	_ =	shalt  }
0x48: {  	_ =	shalt  }
0x49: {  	_ =	shalt  }
0x4a: {  	_ =	shalt  }
0x4b: {  	_ =	shalt  }
0x4c: {  	_ =	shalt  }
0x4d: {  	_ =	shalt  }
0x4e: {  	_ =	shalt  }
0x4f: {  	_ =	shalt  }
0x50: {  	_ =	shalt  }
0x51: {  	_ =	shalt  }
0x52: {  	_ =	shalt  }
0x53: {  	_ =	shalt  }
0x54: {  	_ =	shalt  }
0x55: {  	_ =	shalt  }
0x56: {  	_ =	shalt  }
0x57: {  	_ =	shalt  }
0x58: {  	_ =	shalt  }
0x59: {  	_ =	shalt  }
0x5a: {  	_ =	shalt  }
0x5b: {  	_ =	shalt  }
0x5c: {  	_ =	shalt  }
0x5d: {  	_ =	shalt  }
0x5e: {  	_ =	shalt  }
0x5f: {  	_ =	shalt  }
0x60: {  	_ =	shalt  }
0x61: {  	_ =	shalt  }
0x62: {  	_ =	shalt  }
0x63: {  	_ =	shalt  }
0x64: {  	_ =	shalt  }
0x65: {  	_ =	shalt  }
0x66: {  	_ =	shalt  }
0x67: {  	_ =	shalt  }
0x68: {  	_ =	shalt  }
0x69: {  	_ =	shalt  }
0x6a: {  	_ =	shalt  }
0x6b: {  	_ =	shalt  }
0x6c: {  	_ =	shalt  }
0x6d: {  	_ =	shalt  }
0x6e: {  	_ =	shalt  }
0x6f: {  	_ =	shalt  }
0x70: {  	_ =	shalt  }
0x71: {  	_ =	shalt  }
0x72: {  	_ =	shalt  }
0x73: {  	_ =	shalt  }
0x74: {  	_ =	shalt  }
0x75: {  	_ =	shalt  }
0x76: {  	_ =	shalt  }
0x77: {  	_ =	shalt  }
0x78: {  	_ =	shalt  }
0x79: {  	_ =	shalt  }
0x7a: {  	_ =	shalt  }
0x7b: {  	_ =	shalt  }
0x7c: {  	_ =	shalt  }
0x7d: {  	_ =	shalt  }
0x7e: {  	_ =	shalt  }
0x7f: {  	_ =	shalt  }
0x80: {  	_ =	shalt  }
0x81: {  	_ =	shalt  }
0x82: {  	_ =	shalt  }
0x83: {  	_ =	shalt  }
0x84: {  	_ =	shalt  }
0x85: {  	_ =	shalt  }
0x86: {  	_ =	shalt  }
0x87: {  	_ =	shalt  }
.Lfunc_end0:
.L_simem_size_0:
called_computation_lowered:
.L_overlay_start_0:
0x88: {  	s2 =	sld [smem:$0x3FD9]  }
0x89: {  	s3 =	sld [smem:$0x3FFE];
	_ =	sdelay $0x1  }
0x8a: {  	s1 =	srdreg.scid  }
0x8b: {  	s0 =	sand.u32 $0x1, s1  }
0x8c: {  	s16 =	sshll.u32 s0, $0xA;
	s2 =	sadd.s32 s3, s2  }
0x8d: {  	s2 =	sadd.s32 s2, s16  }
0x8e: {  	[smem:$0x3FA5] =	sst s2  }
0x8f: {  	_ = 	snop  }
0x90: {  	(tm) =	ssettm $0x1  }
0x91: {  	s17 =	sld [smem:$0x3FFB];
	_ =	sdelay $0x3  }
0x92: {  	_ =	strace s17  }
0x93: {  	s2 =	sld [smem:$0x3FFC];
	_ =	sdelay $0x3  }
0x94: {  	_ =	strace s2  }
0x95: {  	s2 =	sld [smem:$0x3FFD];
	_ =	sdelay $0x3  }
0x96: {  	_ =	strace s2  }
0x97: {  	_ =	strace $0x8FFFFFFF  }
0x98: {  	s18 =	sld [smem:$0x3FDB];
	_ =	sdelay $0x1  }
0x99: {  	s19 =	simm.s32 $_scs_section_size  }
0x9a: {  	s4 =	simm.s32 $_size__tile_overlayer_lowered;
	s5 =	simm.s32 $_tile_overlayer_lowered  }
0x9b: {  	s22 =	simm.s32 $0x1BFF;
	s21 =	sshll.u32 s5, $0x1;
	s2 =	sadd.s32 s19, s18  }
0x9c: {  	s6 =	simm.s32 $0x0;
	s20 =	sshll.u32 s4, $0x1;
	s4 =	sadd.s32 s21, s2  }
0x9d: {  	[timem:s6], [sflag:s22] =	dma.local [hbm:s4], s20  }
0x9e: {  	_ =	swait.ge [sflag:s22], s20  }
0x9f: {  	s3 =	ssub.s32 $0x0, s20;
	[sflag:s22] =	ssyncset.done $0x0  }
0xa0: {  	[sflag:s22] =	ssyncadd.s32 s3;
	_ =	sdelay $0x1  }
0xa1: {  	s23 =	simm.s32 $0x1B8B  }
0xa2: {  	_ =	swait.ge [sflag:s23], $0x1  }
0xa3: {  	[sflag:s23] =	ssyncset.done $0x0  }
0xa4: {  	s25 =	simm.s32 $0x1B8E;
	s24 =	sld [smem:$0x3FFE];
	[sflag:s23] =	ssyncadd.s32 $0xFFFFFFFF  }
0xa5: {  	s26 =	simm.s32 $execute0_lowered;
	[smem:$0x3FD2] =	sst s25  }
0xa6: {  	s4 =	sshll.u32 s26, $0x1;
	_ =	strace $0x80000046;
	[dreg:$0x1] =	wrdreg $0xFFFFFFFF  }
0xa7: {  	s28 =	simm.s32 $_size_execute0_lowered;
	s2 =	sadd.s32 s2, s4;
	[dreg:$0x0] =	wrdreg $0x0  }
0xa8: {  	s4 =	sshll.u32 s28, $0x1;
	[dreg:$0x2] =	wrdreg s2  }
0xa9: {  	[dreg:$0x3] =	wrdreg s4  }
0xaa: {  	[dreg:$0x4] =	wrdreg $0xC0  }
0xab: {  	_ =	task [dreg:s6], $0x5FFFF  }
0xac: {  	[dreg:$0x1] =	wrdreg $0xFFFFFFFF  }
0xad: {  	[dreg:$0x0] =	wrdreg $0x60  }
0xae: {  	[dreg:$0x2] =	wrdreg s24  }
0xaf: {  	[dreg:$0x3] =	wrdreg $0xA8000  }
0xb0: {  	[dreg:$0x4] =	wrdreg $0x9  }
0xb1: {  	_ =	task.clear_ibuf [dreg:s6], $0x5FFFF;
	_ =	strace $0x90000046  }
0xb2: {  	s29 =	simm.s32 $0x9;
	_ =	strace $0x80000048  }
0xb3: {  	_ =	swait.ge [sflag:s29], $0x1  }
0xb4: {  	[sflag:s29] =	ssyncadd.s32 $0xFFFFFFFF  }
0xb5: {  	_ =	strace $0x90000048  }
0xb6: {  	_ =	sfence  }
0xb7: {  	s30 =	sld [smem:$0x0];
	_ =	sdelay $0x2  }
0xb8: {  	s31 =	sshll.u32 s1, $0xD;
	s1 =	sshrl.u32 s1, $0x2  }
0xb9: {  	s3 =	sand.u32 $0x4000, s31;
	s1 =	sadd.s32 s1, s30  }
0xba: {  	s0 =	sor.u32 s3, s0;
	s1 =	sshll.u32 s1, $0x11  }
0xbb: {  	s0 =	sor.u32 s1, s0  }
0xbc: {  	s0 =	sadd.s32 $0x8F2B, s0  }
0xbd: {  	[sflag:s0] =	ssyncadd.remote.s32 $0x1  }
0xbe: {  	_ =	sfence.sel $0xFFFF  }
0xbf: {  	[dreg:$0x0] =	wrdreg $0xFFFFFFFF;
	(pc) =	sbr.abs _section_cstart, $3  }
0xc0: {  	[dreg:$0x1] =	wrdreg $0xFFFFFFFF  }
0xc1: {  	_ =	task.clear_ibuf [dreg:s6], $0x2FFFF;
	_ =	strace $0x9FFFFFFF  }
0xc2: {  	(tm) =	ssettm $0x7FFFFFFF  }
0xc3: {  	_ =	shalt  }
tec
execute0_lowered:
.L_overlay_start_1:
0x0: {  	(tag) =	ssettag $0x1  }
0x1: {  	s1 =	srdreg.scid  }
0x2: {  	s0 =	stileid.u32;
	s7 =	rddreg [dreg:$0x0]  }
0x3: {  	s2 =	rddreg [dreg:$0x1];
	s3 =	simm.s32 $0x0;
	s14 =	simm.s32 $0x80  }
0x4: {  	s15 =	simm.s32 $0x2800;
	s16 =	simm.s32 $0x6800;
	s17 =	simm.s32 $0x1  }
0x5: {  	s18 =	simm.s32 $0x2;
	s19 =	simm.s32 $0x2700;
	s20 =	simm.s32 $0x2780  }
0x6: {  	s21 =	simm.s32 $0x0;
	s6 =	sand.u32 $0x1, s1;
	s8 =	smul.u32 $0x2800, s0  }
0x7: {  	s26 =	sshll.u32 s0, $0x1;
	[smem:$0x7FF] =	sst s3;
	s28 =	smul.u32 $0x50000, s0  }
0x8: {  	s4 =	sadd.s32 $0x5600, s7;
	s1 =	sor.u32 s6, s26;
	s9 =	smul.u32 $0x28000, s6  }
0x9: {  	s31 =	sshll.u32 s0, $0x6;
	s6 =	ssub.s32 $0x2, s6;
	s5 =	smul.u32 $0x280, s1  }
0xa: {  	s1 =	rddreg [dreg:$0x2];
	_ =	strace $0x80000047;
	s29 =	sshrl.u32 s6, $0x1  }
0xb: {  	s30 =	sshrl.u32 s28, $0x2;
	s8 =	sadd.s32 s8, s9;
	s12 =	ssub.s32 s6, s29  }
0xc: {  	s13 =	sadd.s32 s30, s2;
	s6 =	sor.u32 $0x1C03, s31;
	s10 =	sadd.s32 s5, s7  }
0xd: {  	s5 =	sadd.s32 $0x37600, s7;
	s11 =	sadd.s32 s8, s7;
	s7 =	sadd.s32 $0x32600, s10  }
0xe: {  	s8 =	sadd.s32 $0x2D600, s10;
	s9 =	sadd.s32 $0x39E00, s11;
	s10 =	smax.u32 s12, $0x1  }
0xf: {  	s11 =	sshrl.u32 s13, $0x3;
	s12 =	simm.s32 $0x3;
	s13 =	simm.s32 $0x1400  }
.LBB2_1:
0x10: {  	[spmem:s11], [sflag:s6] =	dma.local [hbm:s5], $0x2800  }
0x11: {  	_ =	swait.ge [sflag:s12], $0x2800  }
0x12: {  	[sflag:s12] =	ssyncset.done $0x0  }
0x13: {  	[sflag:s12] =	ssyncadd.s32 $0xFFFFD800  }
0x14: {  	[tilespmem:s3], [sflag:$0x3] =	stream.linear.gather [hbm4b:s7+s3], $0x1400, $0x38;
	[tilespmem:$0x1E800] =	vst v63  }
0x15: {  	_ =	swait.ge [sflag:s12], $0x1400  }
0x16: {  	[sflag:s12] =	ssyncset.done $0x0  }
0x17: {  	[sflag:s12] =	ssyncadd.s32 $0xFFFFEC00  }
0x18: {  	[tilespmem:s13], [sflag:$0x3] =	stream.linear.gather [hbm4b:s8+s3], $0x1400, $0x38;
	[tilespmem:$0x1E800] =	vst v63  }
0x19: {  	_ =	swait.ge [sflag:s12], $0x1400  }
0x1a: {  	[sflag:s12] =	ssyncset.done $0x0  }
0x1b: {  	[sflag:s12] =	ssyncadd.s32 $0xFFFFEC00  }
0x1c: {  	[bflag:$0x0] =	sbarrier.arrive $0xFFFF  }
0x1d: {  	[tilespmem:s15], [sflag:$0x1] =	stream.indirect.gather [hbm4b:s4+s14], $0x80, s3, s14, $0xb8;
	[tilespmem:$0x1E800] =	vst v63  }
0x1e: {  	_ = 	snop  }
0x1f: {  	[tilespmem:s16], [sflag:$0x2] =	stream.indirect.gather [hbm4b:s4+s14], $0x80, s14, s14, $0xb8;
	[tilespmem:$0x1E800] =	vst v63  }
0x20: {  	_ =	swait.ge [sflag:s17], $0x4000  }
0x21: {  	[sflag:s17] =	ssyncset.done $0x0  }
0x22: {  	s22 =	simm.s32 $0x1400;
	[sflag:s17] =	ssyncadd.s32 $0xFFFFC000  }
0x23: {  	[spmem:s2] =	stream.indirect.scatter.add.f32 [tilespmem:s15], [sflag:$0x3], $0x80, s22, s14, $0xb8;
	[tilespmem:$0x1E800] =	vst v63  }
0x24: {  	_ =	swait.ge [sflag:s12], $0x4000  }
0x25: {  	[sflag:s12] =	ssyncset.done $0x0  }
0x26: {  	s30 =	simm.s32 $0x100;
	[sflag:s12] =	ssyncadd.s32 $0xFFFFC000  }
0x27: {  	[tilespmem:s15], [sflag:$0x1] =	stream.indirect.gather [hbm4b:s4+s14], $0x80, s30, s14, $0xb8;
	[tilespmem:$0x1E800] =	vst v63  }
0x28: {  	_ =	swait.ge [sflag:s18], $0x4000  }
0x29: {  	[sflag:s18] =	ssyncset.done $0x0  }
0x2a: {  	s31 =	simm.s32 $0x1480;
	[sflag:s18] =	ssyncadd.s32 $0xFFFFC000  }
0x2b: {  	[spmem:s2] =	stream.indirect.scatter.add.f32 [tilespmem:s16], [sflag:$0x3], $0x80, s31, s14, $0xb8;
	[tilespmem:$0x1E800] =	vst v63  }
0x2c: {  	_ =	swait.ge [sflag:s12], $0x4000  }
0x2d: {  	[sflag:s12] =	ssyncset.done $0x0  }
0x2e: {  	s23 =	simm.s32 $0x180;
	s22 =	simm.s32 $0x400;
	[sflag:s12] =	ssyncadd.s32 $0xFFFFC000  }
.LBB2_2:
0x2f: {  	[tilespmem:s16], [sflag:$0x2] =	stream.indirect.gather [hbm4b:s4+s14], $0x80, s23, s14, $0xb8;
	[tilespmem:$0x1E800] =	vst v63  }
0x30: {  	s23 =	smov.u32 s22  }
0x31: {  	p0 =	sne.s32 s22, $0x4800;
	s22 =	sadd.s32 $0x400, s22;
	_ =	swait.ge [sflag:s17], $0x4000  }
0x32: {  	s23 =	sshra.s32 s23, $0x2;
	[sflag:s17] =	ssyncset.done $0x0  }
0x33: {  	s24 =	sadd.s32 $0x1400, s23;
	[sflag:s17] =	ssyncadd.s32 $0xFFFFC000  }
0x34: {  	[spmem:s2] =	stream.indirect.scatter.add.f32 [tilespmem:s15], [sflag:$0x3], $0x80, s24, s14, $0xb8;
	[tilespmem:$0x1E800] =	vst v63  }
0x35: {  	_ =	swait.ge [sflag:s12], $0x4000  }
0x36: {  	[sflag:s12] =	ssyncset.done $0x0  }
0x37: {  	s24 =	sadd.s32 $0x100, s23;
	[sflag:s12] =	ssyncadd.s32 $0xFFFFC000  }
0x38: {  	[tilespmem:s15], [sflag:$0x1] =	stream.indirect.gather [hbm4b:s4+s14], $0x80, s24, s14, $0xb8;
	[tilespmem:$0x1E800] =	vst v63  }
0x39: {  	_ =	swait.ge [sflag:s18], $0x4000  }
0x3a: {  	[sflag:s18] =	ssyncset.done $0x0  }
.Ltmp0:
0x3b: {  	s24 =	sadd.s32 $0x1480, s23;
	[sflag:s18] =	ssyncadd.s32 $0xFFFFC000;
	(pc) =	sbr.rel @p0 .LBB2_2-.Ltmp0, $4  }
0x3c: {  	[spmem:s2] =	stream.indirect.scatter.add.f32 [tilespmem:s16], [sflag:$0x3], $0x80, s24, s14, $0xb8;
	[tilespmem:$0x1E800] =	vst v63  }
0x3d: {  	_ =	swait.ge [sflag:s12], $0x4000  }
0x3e: {  	[sflag:s12] =	ssyncset.done $0x0  }
0x3f: {  	s23 =	sadd.s32 $0x180, s23;
	[sflag:s12] =	ssyncadd.s32 $0xFFFFC000  }
0x40: {  	[tilespmem:s16], [sflag:$0x2] =	stream.indirect.gather [hbm4b:s4+s14], $0x80, s23, s14, $0xb8;
	[tilespmem:$0x1E800] =	vst v63  }
0x41: {  	_ =	swait.ge [sflag:s17], $0x4000  }
0x42: {  	[sflag:s17] =	ssyncset.done $0x0  }
0x43: {  	[sflag:s17] =	ssyncadd.s32 $0xFFFFC000  }
0x44: {  	[spmem:s2] =	stream.indirect.scatter.add.f32 [tilespmem:s15], [sflag:$0x3], $0x80, s19, s14, $0xb8;
	[tilespmem:$0x1E800] =	vst v63  }
0x45: {  	_ =	swait.ge [sflag:s12], $0x4000  }
0x46: {  	[sflag:s12] =	ssyncset.done $0x0  }
0x47: {  	[sflag:s12] =	ssyncadd.s32 $0xFFFFC000  }
0x48: {  	_ =	swait.ge [sflag:s18], $0x4000  }
0x49: {  	[sflag:s18] =	ssyncset.done $0x0  }
0x4a: {  	[sflag:s18] =	ssyncadd.s32 $0xFFFFC000  }
0x4b: {  	[spmem:s2] =	stream.indirect.scatter.add.f32 [tilespmem:s16], [sflag:$0x3], $0x80, s20, s14, $0xb8;
	[tilespmem:$0x1E800] =	vst v63  }
0x4c: {  	_ =	swait.ge [sflag:s12], $0x4000  }
0x4d: {  	s21 =	sadd.s32 $0x1, s21;
	[sflag:s12] =	ssyncset.done $0x0  }
0x4e: {  	p0 =	sne.s32 s21, s10;
	[sflag:s12] =	ssyncadd.s32 $0xFFFFC000  }
.Ltmp1:
0x4f: {  	[bflag:$0x0] =	sbarrier.arrive $0xFFFF;
	(pc) =	sbr.rel @p0 .LBB2_1-.Ltmp1, $4  }
0x50: {  	[hbm:s9], [sflag:s6] =	dma.local [spmem:s11], $0x2800  }
0x51: {  	_ =	swait.ge [sflag:s12], $0x2800  }
0x52: {  	[sflag:s12] =	ssyncset.done $0x0  }
0x53: {  	[sflag:s12] =	ssyncadd.s32 $0xFFFFD800  }
0x54: {  	_ =	sfence.sel $0x180000  }
0x55: {  	[bflag:$0x0] =	sbarrier.arrive $0xFFFF  }
0x56: {  	p0 =	sne.s32 s0, $0x0;
	_ =	strace $0x90000047  }
0x57: {  	s0 =	sadd.s32 @!p0 $0x100000, s1;
	[bflag:$0x2] =	sbarrier.arrive $0xFFFF  }
0x58: {  	[sflag:s0] =	ssyncadd.tile.s32 @!p0 $0x1;
	_ =	shalt  }
.Lfunc_end2:
_tile_overlayer_lowered:
.L_overlay_start_2:
0x59: {  	(tag) =	ssettag $0x2  }
0x5a: {  	s0 =	rddreg [dreg:$0x0];
	s2 =	stileid.u32  }
0x5b: {  	s1 =	rddreg [dreg:$0x1];
	p0 =	sne.s32 s2, $0x0  }
0x5c: {  	s3 =	rddreg [dreg:$0x2];
	[bflag:$0x3] =	sbarrier.arrive $0xFFFF;
	s2 =	simm.s32 @!p0 $0x1C03  }
0x5d: {  	[timem:s3], [sflag:s2] =	dma.local @!p0 [hbm:s0], s1  }
0x5e: {  	s0 =	simm.s32 @!p0 $0x3  }
0x5f: {  	_ =	swait.ge @!p0 [sflag:s0], s1  }
0x60: {  	s1 =	ssub.s32 @!p0 $0x0, s1;
	[sflag:s0] =	ssyncset.done @!p0 $0x0  }
0x61: {  	[sflag:s0] =	ssyncadd.s32 @!p0 s1  }
0x62: {  	[bflag:$0x3] =	sbarrier.arrive $0xFFFF  }
0x63: {  	_ =	shalt  }

</sc_bundles>
